<compile_context>
chip_gen: v7x
topology: tpu7x:2x2x1
jax: 0.10.2.dev20260603
libtpu: 0.0.44.dev20260713+nightly
codegen_flags: <defaults>
</compile_context>

<pallas_src>
import functools

import jax
import jax.numpy as jnp
from jax import lax
from jax.experimental import pallas as pl
from jax.experimental.pallas import tpu as pltpu
from jax.experimental.pallas import tpu_sc as plsc

_LANES = 16



def _logits_body(x_ref, w_ref, out_ref):
    out_ref[...] = lax.dot_general(
        w_ref[...], x_ref[...],
        dimension_numbers=(((1,), (1,)), ((), ())),
        preferred_element_type=jnp.float32,
    )


def _router_logits_t(x, weight, block_tokens):
    n, d = x.shape
    e = weight.shape[0]
    return pl.pallas_call(
        _logits_body,
        grid=(n // block_tokens,),
        in_specs=[
            pl.BlockSpec((block_tokens, d), lambda i: (i, 0)),
            pl.BlockSpec((e, d), lambda i: (0, 0)),
        ],
        out_specs=pl.BlockSpec((e, block_tokens), lambda i: (0, i)),
        out_shape=jax.ShapeDtypeStruct((e, n), jnp.float32),
    )(x, weight)



def _route_body(n_experts, chunk, lg_hbm, vals_hbm, idx_hbm,
                lg_v, vals_v, idx_v):
    num_cores = 2
    wid = lax.axis_index("s") * num_cores + lax.axis_index("c")
    base = wid * chunk

    pltpu.sync_copy(lg_hbm.at[:, pl.ds(base, chunk)], lg_v)

    n_groups = chunk // _LANES

    def group(g, carry):
        off = g * _LANES
        vs = [lg_v[e, pl.ds(off, _LANES)] for e in range(n_experts)]
        m1 = jnp.full((_LANES,), -jnp.inf, jnp.float32)
        m2 = m1
        i1 = jnp.zeros((_LANES,), jnp.int32)
        i2 = i1
        for e in range(n_experts):
            v = vs[e]
            e_vec = jnp.full((_LANES,), e, jnp.int32)
            gt1 = v > m1
            gt2 = v > m2
            i2 = jnp.where(gt1, i1, jnp.where(gt2, e_vec, i2))
            m2 = jnp.where(gt1, m1, jnp.where(gt2, v, m2))
            i1 = jnp.where(gt1, e_vec, i1)
            m1 = jnp.where(gt1, v, m1)
        s = jnp.zeros((_LANES,), jnp.float32)
        for e in range(n_experts):
            s = s + jnp.exp(vs[e] - m1)
        vals_v[0, pl.ds(off, _LANES)] = 1.0 / s
        vals_v[1, pl.ds(off, _LANES)] = jnp.exp(m2 - m1) / s
        idx_v[0, pl.ds(off, _LANES)] = i1
        idx_v[1, pl.ds(off, _LANES)] = i2
        return carry

    lax.fori_loop(0, n_groups, group, 0)

    pltpu.sync_copy(vals_v, vals_hbm.at[:, pl.ds(base, chunk)])
    pltpu.sync_copy(idx_v, idx_hbm.at[:, pl.ds(base, chunk)])


def _route_sc(logits_t):
    e, n = logits_t.shape
    num_workers = 32
    chunk = n // num_workers
    mesh = plsc.VectorSubcoreMesh(core_axis_name="c", subcore_axis_name="s")
    fn = pl.kernel(
        functools.partial(_route_body, e, chunk),
        mesh=mesh,
        out_type=(
            jax.ShapeDtypeStruct((2, n), jnp.float32),
            jax.ShapeDtypeStruct((2, n), jnp.int32),
        ),
        scratch_types=[
            pltpu.VMEM((e, chunk), jnp.float32),
            pltpu.VMEM((2, chunk), jnp.float32),
            pltpu.VMEM((2, chunk), jnp.int32),
        ],
    )
    return fn(logits_t)


def kernel(x, weight):
    xf = x.reshape(-1, x.shape[-1])
    logits_t = _router_logits_t(xf, weight, block_tokens=1024)
    vals_t, idx_t = _route_sc(logits_t)
    return vals_t.T, idx_t.T

# --- scband reference (transcript-rebuilt; emitter-appended) ---
"""Pipeline reference for scband-mo-egate-85392539779349 (READ-ONLY COPY).

The authoritative reference and input builder live on the scoring server;
editing this copy changes nothing except your own understanding.
"""

import jax, jax.numpy as jnp
import numpy as np

TOP_K = 2
N_EXPERTS = 16
DIM = 2048
N_TOKENS = 8192

def setup_inputs(seed: int = 0) -> dict:
    key = jax.random.key(seed)
    k1, k2 = jax.random.split(key)
    x = jax.random.normal(k1, (N_TOKENS, DIM), dtype=jnp.float32)
    weight = jax.random.normal(k2, (N_EXPERTS, DIM), dtype=jnp.float32) * 0.02
    return {"x": x, "weight": weight}

def reference(x, weight):
    # x.view(-1, dim)
    xf = x.reshape(-1, x.shape[-1])
    # F.linear(x, weight, None) -> x @ weight.T
    logits = xf @ weight.T
    scores = jax.nn.softmax(logits, axis=-1)
    # torch.topk(scores, k=top_k, dim=-1, sorted=False)
    vals, idx = jax.lax.top_k(scores, TOP_K)
    return vals, idx

if __name__ == "__main__":
    import jax
    _d = setup_inputs()
    print(jax.jit(kernel)(*tuple(_d.values())))

</pallas_src>

<mosaic_0001>
#map = affine_map<(d0, d1) -> (0, 0)>
module attributes {stable_mosaic.version = 14 : i64} {
  func.func @_route_body(%arg0: i32, %arg1: i32, %arg2: memref<16x8192xf32, #tpu.memory_space<hbm>>, %arg3: memref<2x8192xf32, #tpu.memory_space<hbm>>, %arg4: memref<2x8192xi32, #tpu.memory_space<hbm>>, %arg5: memref<16x256xf32, #tpu.memory_space<vmem>>, %arg6: memref<2x256xf32, #tpu.memory_space<vmem>>, %arg7: memref<2x256xi32, #tpu.memory_space<vmem>>) attributes {dimension_semantics = [#tpu.dimension_semantics<core_parallel>, #tpu.dimension_semantics<subcore_parallel>], iteration_bounds = array<i64: 2, 16>, scalar_prefetch = 0 : i64, scratch_operands = 3 : i64, tpu.core_type = #tpu.core_type<sc_vector_subcore>, window_params = [{transform_indices = #map}, {transform_indices = #map}, {transform_indices = #map}]} {
    %mul3A = arith.constant 2 : i32
    %mul3A_0 = arith.muli %arg1, %mul3A : i32
    %add3A = arith.addi %mul3A_0, %arg0 : i32
    %mul3A_1 = arith.constant 256 : i32
    %mul3A_2 = arith.muli %add3A, %mul3A_1 : i32
    "tpu.region"() ({
      %run_scoped3A = tpu.sem_alloc : memref<!tpu.dma_semaphore, #tpu.memory_space<semaphore_mem>>
      %dma_start3A = arith.constant 0 : i32
      %dma_start3A_8 = tpu.memref_slice %arg2[%dma_start3A, %mul3A_2] : memref<16x8192xf32, #tpu.memory_space<hbm>> -> memref<16x256xf32, #tpu.memory_space<hbm>>
      %dma_start3A_9 = arith.constant 0 : i32
      %dma_start3A_10 = tpu.memref_slice %arg2[%dma_start3A_9, %mul3A_2] : memref<16x8192xf32, #tpu.memory_space<hbm>> -> memref<16x256xf32, #tpu.memory_space<hbm>>
      tpu.enqueue_dma source(%dma_start3A_10 : memref<16x256xf32, #tpu.memory_space<hbm>>) target(%arg5 : memref<16x256xf32, #tpu.memory_space<vmem>>) target_semaphore(%run_scoped3A : memref<!tpu.dma_semaphore, #tpu.memory_space<semaphore_mem>>)
      %dma_wait3A = arith.constant 0 : i32
      %dma_wait3A_11 = tpu.memref_slice %arg2[%dma_wait3A, %mul3A_2] : memref<16x8192xf32, #tpu.memory_space<hbm>> -> memref<16x256xf32, #tpu.memory_space<hbm>>
      %dma_wait3A_12 = arith.constant 0 : i32
      %dma_wait3A_13 = tpu.memref_slice %arg2[%dma_wait3A_12, %mul3A_2] : memref<16x8192xf32, #tpu.memory_space<hbm>> -> memref<16x256xf32, #tpu.memory_space<hbm>>
      tpu.wait_dma2 semaphore(%run_scoped3A : memref<!tpu.dma_semaphore, #tpu.memory_space<semaphore_mem>>) src(%dma_wait3A_13 : memref<16x256xf32, #tpu.memory_space<hbm>>) dst(%arg5 : memref<16x256xf32, #tpu.memory_space<vmem>>)
      tpu.yield
    }) : () -> ()
    %scan3A = arith.constant 0 : i32
    %scan3A_3 = arith.constant 0 : i32
    %scan3A_4 = arith.constant 16 : i32
    %scan3A_5 = arith.addi %scan3A_3, %scan3A_4 : i32
    %scan3A_6 = arith.constant 1 : i32
    scf.for %scan3A_8 = %scan3A_3 to %scan3A_5 step %scan3A_6  : i32 {
      %mul3A_9 = arith.constant 16 : i32
      %mul3A_10 = arith.muli %scan3A_8, %mul3A_9 : i32
      %get3A = arith.constant 0 : i32
      %get3A_11 = arith.index_cast %get3A : i32 to index
      %get3A_12 = arith.index_cast %mul3A_10 : i32 to index
      %get3A_13 = tpu.vector_load %arg5[%get3A_11, %get3A_12] {strides = array<i32>} : memref<16x256xf32, #tpu.memory_space<vmem>>, vector<1x16xf32>,
      %get3A_14 = vector.shape_cast %get3A_13 : vector<1x16xf32> to vector<16xf32>
      %get3A_15 = arith.constant 1 : i32
      %get3A_16 = arith.index_cast %get3A_15 : i32 to index
      %get3A_17 = arith.index_cast %mul3A_10 : i32 to index
      %get3A_18 = tpu.vector_load %arg5[%get3A_16, %get3A_17] {strides = array<i32>} : memref<16x256xf32, #tpu.memory_space<vmem>>, vector<1x16xf32>,
      %get3A_19 = vector.shape_cast %get3A_18 : vector<1x16xf32> to vector<16xf32>
      %get3A_20 = arith.constant 2 : i32
      %get3A_21 = arith.index_cast %get3A_20 : i32 to index
      %get3A_22 = arith.index_cast %mul3A_10 : i32 to index
      %get3A_23 = tpu.vector_load %arg5[%get3A_21, %get3A_22] {strides = array<i32>} : memref<16x256xf32, #tpu.memory_space<vmem>>, vector<1x16xf32>,
      %get3A_24 = vector.shape_cast %get3A_23 : vector<1x16xf32> to vector<16xf32>
      %get3A_25 = arith.constant 3 : i32
      %get3A_26 = arith.index_cast %get3A_25 : i32 to index
      %get3A_27 = arith.index_cast %mul3A_10 : i32 to index
      %get3A_28 = tpu.vector_load %arg5[%get3A_26, %get3A_27] {strides = array<i32>} : memref<16x256xf32, #tpu.memory_space<vmem>>, vector<1x16xf32>,
      %get3A_29 = vector.shape_cast %get3A_28 : vector<1x16xf32> to vector<16xf32>
      %get3A_30 = arith.constant 4 : i32
      %get3A_31 = arith.index_cast %get3A_30 : i32 to index
      %get3A_32 = arith.index_cast %mul3A_10 : i32 to index
      %get3A_33 = tpu.vector_load %arg5[%get3A_31, %get3A_32] {strides = array<i32>} : memref<16x256xf32, #tpu.memory_space<vmem>>, vector<1x16xf32>,
      %get3A_34 = vector.shape_cast %get3A_33 : vector<1x16xf32> to vector<16xf32>
      %get3A_35 = arith.constant 5 : i32
      %get3A_36 = arith.index_cast %get3A_35 : i32 to index
      %get3A_37 = arith.index_cast %mul3A_10 : i32 to index
      %get3A_38 = tpu.vector_load %arg5[%get3A_36, %get3A_37] {strides = array<i32>} : memref<16x256xf32, #tpu.memory_space<vmem>>, vector<1x16xf32>,
      %get3A_39 = vector.shape_cast %get3A_38 : vector<1x16xf32> to vector<16xf32>
      %get3A_40 = arith.constant 6 : i32
      %get3A_41 = arith.index_cast %get3A_40 : i32 to index
      %get3A_42 = arith.index_cast %mul3A_10 : i32 to index
      %get3A_43 = tpu.vector_load %arg5[%get3A_41, %get3A_42] {strides = array<i32>} : memref<16x256xf32, #tpu.memory_space<vmem>>, vector<1x16xf32>,
      %get3A_44 = vector.shape_cast %get3A_43 : vector<1x16xf32> to vector<16xf32>
      %get3A_45 = arith.constant 7 : i32
      %get3A_46 = arith.index_cast %get3A_45 : i32 to index
      %get3A_47 = arith.index_cast %mul3A_10 : i32 to index
      %get3A_48 = tpu.vector_load %arg5[%get3A_46, %get3A_47] {strides = array<i32>} : memref<16x256xf32, #tpu.memory_space<vmem>>, vector<1x16xf32>,
      %get3A_49 = vector.shape_cast %get3A_48 : vector<1x16xf32> to vector<16xf32>
      %get3A_50 = arith.constant 8 : i32
      %get3A_51 = arith.index_cast %get3A_50 : i32 to index
      %get3A_52 = arith.index_cast %mul3A_10 : i32 to index
      %get3A_53 = tpu.vector_load %arg5[%get3A_51, %get3A_52] {strides = array<i32>} : memref<16x256xf32, #tpu.memory_space<vmem>>, vector<1x16xf32>,
      %get3A_54 = vector.shape_cast %get3A_53 : vector<1x16xf32> to vector<16xf32>
      %get3A_55 = arith.constant 9 : i32
      %get3A_56 = arith.index_cast %get3A_55 : i32 to index
      %get3A_57 = arith.index_cast %mul3A_10 : i32 to index
      %get3A_58 = tpu.vector_load %arg5[%get3A_56, %get3A_57] {strides = array<i32>} : memref<16x256xf32, #tpu.memory_space<vmem>>, vector<1x16xf32>,
      %get3A_59 = vector.shape_cast %get3A_58 : vector<1x16xf32> to vector<16xf32>
      %get3A_60 = arith.constant 10 : i32
      %get3A_61 = arith.index_cast %get3A_60 : i32 to index
      %get3A_62 = arith.index_cast %mul3A_10 : i32 to index
      %get3A_63 = tpu.vector_load %arg5[%get3A_61, %get3A_62] {strides = array<i32>} : memref<16x256xf32, #tpu.memory_space<vmem>>, vector<1x16xf32>,
      %get3A_64 = vector.shape_cast %get3A_63 : vector<1x16xf32> to vector<16xf32>
      %get3A_65 = arith.constant 11 : i32
      %get3A_66 = arith.index_cast %get3A_65 : i32 to index
      %get3A_67 = arith.index_cast %mul3A_10 : i32 to index
      %get3A_68 = tpu.vector_load %arg5[%get3A_66, %get3A_67] {strides = array<i32>} : memref<16x256xf32, #tpu.memory_space<vmem>>, vector<1x16xf32>,
      %get3A_69 = vector.shape_cast %get3A_68 : vector<1x16xf32> to vector<16xf32>
      %get3A_70 = arith.constant 12 : i32
      %get3A_71 = arith.index_cast %get3A_70 : i32 to index
      %get3A_72 = arith.index_cast %mul3A_10 : i32 to index
      %get3A_73 = tpu.vector_load %arg5[%get3A_71, %get3A_72] {strides = array<i32>} : memref<16x256xf32, #tpu.memory_space<vmem>>, vector<1x16xf32>,
      %get3A_74 = vector.shape_cast %get3A_73 : vector<1x16xf32> to vector<16xf32>
      %get3A_75 = arith.constant 13 : i32
      %get3A_76 = arith.index_cast %get3A_75 : i32 to index
      %get3A_77 = arith.index_cast %mul3A_10 : i32 to index
      %get3A_78 = tpu.vector_load %arg5[%get3A_76, %get3A_77] {strides = array<i32>} : memref<16x256xf32, #tpu.memory_space<vmem>>, vector<1x16xf32>,
      %get3A_79 = vector.shape_cast %get3A_78 : vector<1x16xf32> to vector<16xf32>
      %get3A_80 = arith.constant 14 : i32
      %get3A_81 = arith.index_cast %get3A_80 : i32 to index
      %get3A_82 = arith.index_cast %mul3A_10 : i32 to index
      %get3A_83 = tpu.vector_load %arg5[%get3A_81, %get3A_82] {strides = array<i32>} : memref<16x256xf32, #tpu.memory_space<vmem>>, vector<1x16xf32>,
      %get3A_84 = vector.shape_cast %get3A_83 : vector<1x16xf32> to vector<16xf32>
      %get3A_85 = arith.constant 15 : i32
      %get3A_86 = arith.index_cast %get3A_85 : i32 to index
      %get3A_87 = arith.index_cast %mul3A_10 : i32 to index
      %get3A_88 = tpu.vector_load %arg5[%get3A_86, %get3A_87] {strides = array<i32>} : memref<16x256xf32, #tpu.memory_space<vmem>>, vector<1x16xf32>,
      %get3A_89 = vector.shape_cast %get3A_88 : vector<1x16xf32> to vector<16xf32>
      %broadcast_in_dim3A = arith.constant 0xFF800000 : f32
      %broadcast_in_dim3A_90 = vector.broadcast %broadcast_in_dim3A : f32 to vector<16xf32>
      %broadcast_in_dim3A_91 = arith.constant 0 : i32
      %broadcast_in_dim3A_92 = vector.broadcast %broadcast_in_dim3A_91 : i32 to vector<16xi32>
      %broadcast_in_dim3A_93 = arith.constant 0 : i32
      %broadcast_in_dim3A_94 = vector.broadcast %broadcast_in_dim3A_93 : i32 to vector<16xi32>
      %gt3A = arith.cmpf ogt, %get3A_14, %broadcast_in_dim3A_90 : vector<16xf32>
      %gt3A_95 = arith.cmpf ogt, %get3A_14, %broadcast_in_dim3A_90 : vector<16xf32>
      %select_n3A = arith.select %gt3A_95, %broadcast_in_dim3A_94, %broadcast_in_dim3A_92 : vector<16xi1>, vector<16xi32>
      %select_n3A_96 = arith.select %gt3A, %broadcast_in_dim3A_92, %select_n3A : vector<16xi1>, vector<16xi32>
      %select_n3A_97 = arith.select %gt3A_95, %get3A_14, %broadcast_in_dim3A_90 : vector<16xi1>, vector<16xf32>
      %select_n3A_98 = arith.select %gt3A, %broadcast_in_dim3A_90, %select_n3A_97 : vector<16xi1>, vector<16xf32>
      %select_n3A_99 = arith.select %gt3A, %broadcast_in_dim3A_94, %broadcast_in_dim3A_92 : vector<16xi1>, vector<16xi32>
      %select_n3A_100 = arith.select %gt3A, %get3A_14, %broadcast_in_dim3A_90 : vector<16xi1>, vector<16xf32>
      %broadcast_in_dim3A_101 = arith.constant 1 : i32
      %broadcast_in_dim3A_102 = vector.broadcast %broadcast_in_dim3A_101 : i32 to vector<16xi32>
      %gt3A_103 = arith.cmpf ogt, %get3A_19, %select_n3A_100 : vector<16xf32>
      %gt3A_104 = arith.cmpf ogt, %get3A_19, %select_n3A_98 : vector<16xf32>
      %select_n3A_105 = arith.select %gt3A_104, %broadcast_in_dim3A_102, %select_n3A_96 : vector<16xi1>, vector<16xi32>
      %select_n3A_106 = arith.select %gt3A_103, %select_n3A_99, %select_n3A_105 : vector<16xi1>, vector<16xi32>
      %select_n3A_107 = arith.select %gt3A_104, %get3A_19, %select_n3A_98 : vector<16xi1>, vector<16xf32>
      %select_n3A_108 = arith.select %gt3A_103, %select_n3A_100, %select_n3A_107 : vector<16xi1>, vector<16xf32>
      %select_n3A_109 = arith.select %gt3A_103, %broadcast_in_dim3A_102, %select_n3A_99 : vector<16xi1>, vector<16xi32>
      %select_n3A_110 = arith.select %gt3A_103, %get3A_19, %select_n3A_100 : vector<16xi1>, vector<16xf32>
      %broadcast_in_dim3A_111 = arith.constant 2 : i32
      %broadcast_in_dim3A_112 = vector.broadcast %broadcast_in_dim3A_111 : i32 to vector<16xi32>
      %gt3A_113 = arith.cmpf ogt, %get3A_24, %select_n3A_110 : vector<16xf32>
      %gt3A_114 = arith.cmpf ogt, %get3A_24, %select_n3A_108 : vector<16xf32>
      %select_n3A_115 = arith.select %gt3A_114, %broadcast_in_dim3A_112, %select_n3A_106 : vector<16xi1>, vector<16xi32>
      %select_n3A_116 = arith.select %gt3A_113, %select_n3A_109, %select_n3A_115 : vector<16xi1>, vector<16xi32>
      %select_n3A_117 = arith.select %gt3A_114, %get3A_24, %select_n3A_108 : vector<16xi1>, vector<16xf32>
      %select_n3A_118 = arith.select %gt3A_113, %select_n3A_110, %select_n3A_117 : vector<16xi1>, vector<16xf32>
      %select_n3A_119 = arith.select %gt3A_113, %broadcast_in_dim3A_112, %select_n3A_109 : vector<16xi1>, vector<16xi32>
      %select_n3A_120 = arith.select %gt3A_113, %get3A_24, %select_n3A_110 : vector<16xi1>, vector<16xf32>
      %broadcast_in_dim3A_121 = arith.constant 3 : i32
      %broadcast_in_dim3A_122 = vector.broadcast %broadcast_in_dim3A_121 : i32 to vector<16xi32>
      %gt3A_123 = arith.cmpf ogt, %get3A_29, %select_n3A_120 : vector<16xf32>
      %gt3A_124 = arith.cmpf ogt, %get3A_29, %select_n3A_118 : vector<16xf32>
      %select_n3A_125 = arith.select %gt3A_124, %broadcast_in_dim3A_122, %select_n3A_116 : vector<16xi1>, vector<16xi32>
      %select_n3A_126 = arith.select %gt3A_123, %select_n3A_119, %select_n3A_125 : vector<16xi1>, vector<16xi32>
      %select_n3A_127 = arith.select %gt3A_124, %get3A_29, %select_n3A_118 : vector<16xi1>, vector<16xf32>
      %select_n3A_128 = arith.select %gt3A_123, %select_n3A_120, %select_n3A_127 : vector<16xi1>, vector<16xf32>
      %select_n3A_129 = arith.select %gt3A_123, %broadcast_in_dim3A_122, %select_n3A_119 : vector<16xi1>, vector<16xi32>
      %select_n3A_130 = arith.select %gt3A_123, %get3A_29, %select_n3A_120 : vector<16xi1>, vector<16xf32>
      %broadcast_in_dim3A_131 = arith.constant 4 : i32
      %broadcast_in_dim3A_132 = vector.broadcast %broadcast_in_dim3A_131 : i32 to vector<16xi32>
      %gt3A_133 = arith.cmpf ogt, %get3A_34, %select_n3A_130 : vector<16xf32>
      %gt3A_134 = arith.cmpf ogt, %get3A_34, %select_n3A_128 : vector<16xf32>
      %select_n3A_135 = arith.select %gt3A_134, %broadcast_in_dim3A_132, %select_n3A_126 : vector<16xi1>, vector<16xi32>
      %select_n3A_136 = arith.select %gt3A_133, %select_n3A_129, %select_n3A_135 : vector<16xi1>, vector<16xi32>
      %select_n3A_137 = arith.select %gt3A_134, %get3A_34, %select_n3A_128 : vector<16xi1>, vector<16xf32>
      %select_n3A_138 = arith.select %gt3A_133, %select_n3A_130, %select_n3A_137 : vector<16xi1>, vector<16xf32>
      %select_n3A_139 = arith.select %gt3A_133, %broadcast_in_dim3A_132, %select_n3A_129 : vector<16xi1>, vector<16xi32>
      %select_n3A_140 = arith.select %gt3A_133, %get3A_34, %select_n3A_130 : vector<16xi1>, vector<16xf32>
      %broadcast_in_dim3A_141 = arith.constant 5 : i32
      %broadcast_in_dim3A_142 = vector.broadcast %broadcast_in_dim3A_141 : i32 to vector<16xi32>
      %gt3A_143 = arith.cmpf ogt, %get3A_39, %select_n3A_140 : vector<16xf32>
      %gt3A_144 = arith.cmpf ogt, %get3A_39, %select_n3A_138 : vector<16xf32>
      %select_n3A_145 = arith.select %gt3A_144, %broadcast_in_dim3A_142, %select_n3A_136 : vector<16xi1>, vector<16xi32>
      %select_n3A_146 = arith.select %gt3A_143, %select_n3A_139, %select_n3A_145 : vector<16xi1>, vector<16xi32>
      %select_n3A_147 = arith.select %gt3A_144, %get3A_39, %select_n3A_138 : vector<16xi1>, vector<16xf32>
      %select_n3A_148 = arith.select %gt3A_143, %select_n3A_140, %select_n3A_147 : vector<16xi1>, vector<16xf32>
      %select_n3A_149 = arith.select %gt3A_143, %broadcast_in_dim3A_142, %select_n3A_139 : vector<16xi1>, vector<16xi32>
      %select_n3A_150 = arith.select %gt3A_143, %get3A_39, %select_n3A_140 : vector<16xi1>, vector<16xf32>
      %broadcast_in_dim3A_151 = arith.constant 6 : i32
      %broadcast_in_dim3A_152 = vector.broadcast %broadcast_in_dim3A_151 : i32 to vector<16xi32>
      %gt3A_153 = arith.cmpf ogt, %get3A_44, %select_n3A_150 : vector<16xf32>
      %gt3A_154 = arith.cmpf ogt, %get3A_44, %select_n3A_148 : vector<16xf32>
      %select_n3A_155 = arith.select %gt3A_154, %broadcast_in_dim3A_152, %select_n3A_146 : vector<16xi1>, vector<16xi32>
      %select_n3A_156 = arith.select %gt3A_153, %select_n3A_149, %select_n3A_155 : vector<16xi1>, vector<16xi32>
      %select_n3A_157 = arith.select %gt3A_154, %get3A_44, %select_n3A_148 : vector<16xi1>, vector<16xf32>
      %select_n3A_158 = arith.select %gt3A_153, %select_n3A_150, %select_n3A_157 : vector<16xi1>, vector<16xf32>
      %select_n3A_159 = arith.select %gt3A_153, %broadcast_in_dim3A_152, %select_n3A_149 : vector<16xi1>, vector<16xi32>
      %select_n3A_160 = arith.select %gt3A_153, %get3A_44, %select_n3A_150 : vector<16xi1>, vector<16xf32>
      %broadcast_in_dim3A_161 = arith.constant 7 : i32
      %broadcast_in_dim3A_162 = vector.broadcast %broadcast_in_dim3A_161 : i32 to vector<16xi32>
      %gt3A_163 = arith.cmpf ogt, %get3A_49, %select_n3A_160 : vector<16xf32>
      %gt3A_164 = arith.cmpf ogt, %get3A_49, %select_n3A_158 : vector<16xf32>
      %select_n3A_165 = arith.select %gt3A_164, %broadcast_in_dim3A_162, %select_n3A_156 : vector<16xi1>, vector<16xi32>
      %select_n3A_166 = arith.select %gt3A_163, %select_n3A_159, %select_n3A_165 : vector<16xi1>, vector<16xi32>
      %select_n3A_167 = arith.select %gt3A_164, %get3A_49, %select_n3A_158 : vector<16xi1>, vector<16xf32>
      %select_n3A_168 = arith.select %gt3A_163, %select_n3A_160, %select_n3A_167 : vector<16xi1>, vector<16xf32>
      %select_n3A_169 = arith.select %gt3A_163, %broadcast_in_dim3A_162, %select_n3A_159 : vector<16xi1>, vector<16xi32>
      %select_n3A_170 = arith.select %gt3A_163, %get3A_49, %select_n3A_160 : vector<16xi1>, vector<16xf32>
      %broadcast_in_dim3A_171 = arith.constant 8 : i32
      %broadcast_in_dim3A_172 = vector.broadcast %broadcast_in_dim3A_171 : i32 to vector<16xi32>
      %gt3A_173 = arith.cmpf ogt, %get3A_54, %select_n3A_170 : vector<16xf32>
      %gt3A_174 = arith.cmpf ogt, %get3A_54, %select_n3A_168 : vector<16xf32>
      %select_n3A_175 = arith.select %gt3A_174, %broadcast_in_dim3A_172, %select_n3A_166 : vector<16xi1>, vector<16xi32>
      %select_n3A_176 = arith.select %gt3A_173, %select_n3A_169, %select_n3A_175 : vector<16xi1>, vector<16xi32>
      %select_n3A_177 = arith.select %gt3A_174, %get3A_54, %select_n3A_168 : vector<16xi1>, vector<16xf32>
      %select_n3A_178 = arith.select %gt3A_173, %select_n3A_170, %select_n3A_177 : vector<16xi1>, vector<16xf32>
      %select_n3A_179 = arith.select %gt3A_173, %broadcast_in_dim3A_172, %select_n3A_169 : vector<16xi1>, vector<16xi32>
      %select_n3A_180 = arith.select %gt3A_173, %get3A_54, %select_n3A_170 : vector<16xi1>, vector<16xf32>
      %broadcast_in_dim3A_181 = arith.constant 9 : i32
      %broadcast_in_dim3A_182 = vector.broadcast %broadcast_in_dim3A_181 : i32 to vector<16xi32>
      %gt3A_183 = arith.cmpf ogt, %get3A_59, %select_n3A_180 : vector<16xf32>
      %gt3A_184 = arith.cmpf ogt, %get3A_59, %select_n3A_178 : vector<16xf32>
      %select_n3A_185 = arith.select %gt3A_184, %broadcast_in_dim3A_182, %select_n3A_176 : vector<16xi1>, vector<16xi32>
      %select_n3A_186 = arith.select %gt3A_183, %select_n3A_179, %select_n3A_185 : vector<16xi1>, vector<16xi32>
      %select_n3A_187 = arith.select %gt3A_184, %get3A_59, %select_n3A_178 : vector<16xi1>, vector<16xf32>
      %select_n3A_188 = arith.select %gt3A_183, %select_n3A_180, %select_n3A_187 : vector<16xi1>, vector<16xf32>
      %select_n3A_189 = arith.select %gt3A_183, %broadcast_in_dim3A_182, %select_n3A_179 : vector<16xi1>, vector<16xi32>
      %select_n3A_190 = arith.select %gt3A_183, %get3A_59, %select_n3A_180 : vector<16xi1>, vector<16xf32>
      %broadcast_in_dim3A_191 = arith.constant 10 : i32
      %broadcast_in_dim3A_192 = vector.broadcast %broadcast_in_dim3A_191 : i32 to vector<16xi32>
      %gt3A_193 = arith.cmpf ogt, %get3A_64, %select_n3A_190 : vector<16xf32>
      %gt3A_194 = arith.cmpf ogt, %get3A_64, %select_n3A_188 : vector<16xf32>
      %select_n3A_195 = arith.select %gt3A_194, %broadcast_in_dim3A_192, %select_n3A_186 : vector<16xi1>, vector<16xi32>
      %select_n3A_196 = arith.select %gt3A_193, %select_n3A_189, %select_n3A_195 : vector<16xi1>, vector<16xi32>
      %select_n3A_197 = arith.select %gt3A_194, %get3A_64, %select_n3A_188 : vector<16xi1>, vector<16xf32>
      %select_n3A_198 = arith.select %gt3A_193, %select_n3A_190, %select_n3A_197 : vector<16xi1>, vector<16xf32>
      %select_n3A_199 = arith.select %gt3A_193, %broadcast_in_dim3A_192, %select_n3A_189 : vector<16xi1>, vector<16xi32>
      %select_n3A_200 = arith.select %gt3A_193, %get3A_64, %select_n3A_190 : vector<16xi1>, vector<16xf32>
      %broadcast_in_dim3A_201 = arith.constant 11 : i32
      %broadcast_in_dim3A_202 = vector.broadcast %broadcast_in_dim3A_201 : i32 to vector<16xi32>
      %gt3A_203 = arith.cmpf ogt, %get3A_69, %select_n3A_200 : vector<16xf32>
      %gt3A_204 = arith.cmpf ogt, %get3A_69, %select_n3A_198 : vector<16xf32>
      %select_n3A_205 = arith.select %gt3A_204, %broadcast_in_dim3A_202, %select_n3A_196 : vector<16xi1>, vector<16xi32>
      %select_n3A_206 = arith.select %gt3A_203, %select_n3A_199, %select_n3A_205 : vector<16xi1>, vector<16xi32>
      %select_n3A_207 = arith.select %gt3A_204, %get3A_69, %select_n3A_198 : vector<16xi1>, vector<16xf32>
      %select_n3A_208 = arith.select %gt3A_203, %select_n3A_200, %select_n3A_207 : vector<16xi1>, vector<16xf32>
      %select_n3A_209 = arith.select %gt3A_203, %broadcast_in_dim3A_202, %select_n3A_199 : vector<16xi1>, vector<16xi32>
      %select_n3A_210 = arith.select %gt3A_203, %get3A_69, %select_n3A_200 : vector<16xi1>, vector<16xf32>
      %broadcast_in_dim3A_211 = arith.constant 12 : i32
      %broadcast_in_dim3A_212 = vector.broadcast %broadcast_in_dim3A_211 : i32 to vector<16xi32>
      %gt3A_213 = arith.cmpf ogt, %get3A_74, %select_n3A_210 : vector<16xf32>
      %gt3A_214 = arith.cmpf ogt, %get3A_74, %select_n3A_208 : vector<16xf32>
      %select_n3A_215 = arith.select %gt3A_214, %broadcast_in_dim3A_212, %select_n3A_206 : vector<16xi1>, vector<16xi32>
      %select_n3A_216 = arith.select %gt3A_213, %select_n3A_209, %select_n3A_215 : vector<16xi1>, vector<16xi32>
      %select_n3A_217 = arith.select %gt3A_214, %get3A_74, %select_n3A_208 : vector<16xi1>, vector<16xf32>
      %select_n3A_218 = arith.select %gt3A_213, %select_n3A_210, %select_n3A_217 : vector<16xi1>, vector<16xf32>
      %select_n3A_219 = arith.select %gt3A_213, %broadcast_in_dim3A_212, %select_n3A_209 : vector<16xi1>, vector<16xi32>
      %select_n3A_220 = arith.select %gt3A_213, %get3A_74, %select_n3A_210 : vector<16xi1>, vector<16xf32>
      %broadcast_in_dim3A_221 = arith.constant 13 : i32
      %broadcast_in_dim3A_222 = vector.broadcast %broadcast_in_dim3A_221 : i32 to vector<16xi32>
      %gt3A_223 = arith.cmpf ogt, %get3A_79, %select_n3A_220 : vector<16xf32>
      %gt3A_224 = arith.cmpf ogt, %get3A_79, %select_n3A_218 : vector<16xf32>
      %select_n3A_225 = arith.select %gt3A_224, %broadcast_in_dim3A_222, %select_n3A_216 : vector<16xi1>, vector<16xi32>
      %select_n3A_226 = arith.select %gt3A_223, %select_n3A_219, %select_n3A_225 : vector<16xi1>, vector<16xi32>
      %select_n3A_227 = arith.select %gt3A_224, %get3A_79, %select_n3A_218 : vector<16xi1>, vector<16xf32>
      %select_n3A_228 = arith.select %gt3A_223, %select_n3A_220, %select_n3A_227 : vector<16xi1>, vector<16xf32>
      %select_n3A_229 = arith.select %gt3A_223, %broadcast_in_dim3A_222, %select_n3A_219 : vector<16xi1>, vector<16xi32>
      %select_n3A_230 = arith.select %gt3A_223, %get3A_79, %select_n3A_220 : vector<16xi1>, vector<16xf32>
      %broadcast_in_dim3A_231 = arith.constant 14 : i32
      %broadcast_in_dim3A_232 = vector.broadcast %broadcast_in_dim3A_231 : i32 to vector<16xi32>
      %gt3A_233 = arith.cmpf ogt, %get3A_84, %select_n3A_230 : vector<16xf32>
      %gt3A_234 = arith.cmpf ogt, %get3A_84, %select_n3A_228 : vector<16xf32>
      %select_n3A_235 = arith.select %gt3A_234, %broadcast_in_dim3A_232, %select_n3A_226 : vector<16xi1>, vector<16xi32>
      %select_n3A_236 = arith.select %gt3A_233, %select_n3A_229, %select_n3A_235 : vector<16xi1>, vector<16xi32>
      %select_n3A_237 = arith.select %gt3A_234, %get3A_84, %select_n3A_228 : vector<16xi1>, vector<16xf32>
      %select_n3A_238 = arith.select %gt3A_233, %select_n3A_230, %select_n3A_237 : vector<16xi1>, vector<16xf32>
      %select_n3A_239 = arith.select %gt3A_233, %broadcast_in_dim3A_232, %select_n3A_229 : vector<16xi1>, vector<16xi32>
      %select_n3A_240 = arith.select %gt3A_233, %get3A_84, %select_n3A_230 : vector<16xi1>, vector<16xf32>
      %broadcast_in_dim3A_241 = arith.constant 15 : i32
      %broadcast_in_dim3A_242 = vector.broadcast %broadcast_in_dim3A_241 : i32 to vector<16xi32>
      %gt3A_243 = arith.cmpf ogt, %get3A_89, %select_n3A_240 : vector<16xf32>
      %gt3A_244 = arith.cmpf ogt, %get3A_89, %select_n3A_238 : vector<16xf32>
      %select_n3A_245 = arith.select %gt3A_244, %broadcast_in_dim3A_242, %select_n3A_236 : vector<16xi1>, vector<16xi32>
      %select_n3A_246 = arith.select %gt3A_243, %select_n3A_239, %select_n3A_245 : vector<16xi1>, vector<16xi32>
      %select_n3A_247 = arith.select %gt3A_244, %get3A_89, %select_n3A_238 : vector<16xi1>, vector<16xf32>
      %select_n3A_248 = arith.select %gt3A_243, %select_n3A_240, %select_n3A_247 : vector<16xi1>, vector<16xf32>
      %select_n3A_249 = arith.select %gt3A_243, %broadcast_in_dim3A_242, %select_n3A_239 : vector<16xi1>, vector<16xi32>
      %select_n3A_250 = arith.select %gt3A_243, %get3A_89, %select_n3A_240 : vector<16xi1>, vector<16xf32>
      %broadcast_in_dim3A_251 = arith.constant 0.000000e+00 : f32
      %broadcast_in_dim3A_252 = vector.broadcast %broadcast_in_dim3A_251 : f32 to vector<16xf32>
      %sub3A = arith.subf %get3A_14, %select_n3A_250 : vector<16xf32>
      %exp3A = math.exp %sub3A : vector<16xf32>
      %add3A_253 = arith.addf %broadcast_in_dim3A_252, %exp3A : vector<16xf32>
      %sub3A_254 = arith.subf %get3A_19, %select_n3A_250 : vector<16xf32>
      %exp3A_255 = math.exp %sub3A_254 : vector<16xf32>
      %add3A_256 = arith.addf %add3A_253, %exp3A_255 : vector<16xf32>
      %sub3A_257 = arith.subf %get3A_24, %select_n3A_250 : vector<16xf32>
      %exp3A_258 = math.exp %sub3A_257 : vector<16xf32>
      %add3A_259 = arith.addf %add3A_256, %exp3A_258 : vector<16xf32>
      %sub3A_260 = arith.subf %get3A_29, %select_n3A_250 : vector<16xf32>
      %exp3A_261 = math.exp %sub3A_260 : vector<16xf32>
      %add3A_262 = arith.addf %add3A_259, %exp3A_261 : vector<16xf32>
      %sub3A_263 = arith.subf %get3A_34, %select_n3A_250 : vector<16xf32>
      %exp3A_264 = math.exp %sub3A_263 : vector<16xf32>
      %add3A_265 = arith.addf %add3A_262, %exp3A_264 : vector<16xf32>
      %sub3A_266 = arith.subf %get3A_39, %select_n3A_250 : vector<16xf32>
      %exp3A_267 = math.exp %sub3A_266 : vector<16xf32>
      %add3A_268 = arith.addf %add3A_265, %exp3A_267 : vector<16xf32>
      %sub3A_269 = arith.subf %get3A_44, %select_n3A_250 : vector<16xf32>
      %exp3A_270 = math.exp %sub3A_269 : vector<16xf32>
      %add3A_271 = arith.addf %add3A_268, %exp3A_270 : vector<16xf32>
      %sub3A_272 = arith.subf %get3A_49, %select_n3A_250 : vector<16xf32>
      %exp3A_273 = math.exp %sub3A_272 : vector<16xf32>
      %add3A_274 = arith.addf %add3A_271, %exp3A_273 : vector<16xf32>
      %sub3A_275 = arith.subf %get3A_54, %select_n3A_250 : vector<16xf32>
      %exp3A_276 = math.exp %sub3A_275 : vector<16xf32>
      %add3A_277 = arith.addf %add3A_274, %exp3A_276 : vector<16xf32>
      %sub3A_278 = arith.subf %get3A_59, %select_n3A_250 : vector<16xf32>
      %exp3A_279 = math.exp %sub3A_278 : vector<16xf32>
      %add3A_280 = arith.addf %add3A_277, %exp3A_279 : vector<16xf32>
      %sub3A_281 = arith.subf %get3A_64, %select_n3A_250 : vector<16xf32>
      %exp3A_282 = math.exp %sub3A_281 : vector<16xf32>
      %add3A_283 = arith.addf %add3A_280, %exp3A_282 : vector<16xf32>
      %sub3A_284 = arith.subf %get3A_69, %select_n3A_250 : vector<16xf32>
      %exp3A_285 = math.exp %sub3A_284 : vector<16xf32>
      %add3A_286 = arith.addf %add3A_283, %exp3A_285 : vector<16xf32>
      %sub3A_287 = arith.subf %get3A_74, %select_n3A_250 : vector<16xf32>
      %exp3A_288 = math.exp %sub3A_287 : vector<16xf32>
      %add3A_289 = arith.addf %add3A_286, %exp3A_288 : vector<16xf32>
      %sub3A_290 = arith.subf %get3A_79, %select_n3A_250 : vector<16xf32>
      %exp3A_291 = math.exp %sub3A_290 : vector<16xf32>
      %add3A_292 = arith.addf %add3A_289, %exp3A_291 : vector<16xf32>
      %sub3A_293 = arith.subf %get3A_84, %select_n3A_250 : vector<16xf32>
      %exp3A_294 = math.exp %sub3A_293 : vector<16xf32>
      %add3A_295 = arith.addf %add3A_292, %exp3A_294 : vector<16xf32>
      %sub3A_296 = arith.subf %get3A_89, %select_n3A_250 : vector<16xf32>
      %exp3A_297 = math.exp %sub3A_296 : vector<16xf32>
      %add3A_298 = arith.addf %add3A_295, %exp3A_297 : vector<16xf32>
      %div3A = arith.constant 1.000000e+00 : f32
      %div3A_299 = vector.broadcast %div3A : f32 to vector<16xf32>
      %div3A_300 = arith.divf %div3A_299, %add3A_298 : vector<16xf32>
      %swap3A = arith.constant 0 : i32
      %swap3A_301 = arith.index_cast %swap3A : i32 to index
      %swap3A_302 = arith.index_cast %mul3A_10 : i32 to index
      %swap3A_303 = tpu.vector_load %arg6[%swap3A_301, %swap3A_302] {strides = array<i32>} : memref<2x256xf32, #tpu.memory_space<vmem>>, vector<1x16xf32>,
      %swap3A_304 = vector.shape_cast %swap3A_303 : vector<1x16xf32> to vector<16xf32>
      %swap3A_305 = vector.shape_cast %div3A_300 : vector<16xf32> to vector<1x16xf32>
      tpu.vector_store %arg6[%swap3A_301, %swap3A_302], %swap3A_305 {strides = array<i32>} : memref<2x256xf32, #tpu.memory_space<vmem>>, vector<1x16xf32>,
      %sub3A_306 = arith.subf %select_n3A_248, %select_n3A_250 : vector<16xf32>
      %exp3A_307 = math.exp %sub3A_306 : vector<16xf32>
      %div3A_308 = arith.divf %exp3A_307, %add3A_298 : vector<16xf32>
      %swap3A_309 = arith.constant 1 : i32
      %swap3A_310 = arith.index_cast %swap3A_309 : i32 to index
      %swap3A_311 = arith.index_cast %mul3A_10 : i32 to index
      %swap3A_312 = tpu.vector_load %arg6[%swap3A_310, %swap3A_311] {strides = array<i32>} : memref<2x256xf32, #tpu.memory_space<vmem>>, vector<1x16xf32>,
      %swap3A_313 = vector.shape_cast %swap3A_312 : vector<1x16xf32> to vector<16xf32>
      %swap3A_314 = vector.shape_cast %div3A_308 : vector<16xf32> to vector<1x16xf32>
      tpu.vector_store %arg6[%swap3A_310, %swap3A_311], %swap3A_314 {strides = array<i32>} : memref<2x256xf32, #tpu.memory_space<vmem>>, vector<1x16xf32>,
      %swap3A_315 = arith.constant 0 : i32
      %swap3A_316 = arith.index_cast %swap3A_315 : i32 to index
      %swap3A_317 = arith.index_cast %mul3A_10 : i32 to index
      %swap3A_318 = tpu.vector_load %arg7[%swap3A_316, %swap3A_317] {strides = array<i32>} : memref<2x256xi32, #tpu.memory_space<vmem>>, vector<1x16xi32>,
      %swap3A_319 = vector.shape_cast %swap3A_318 : vector<1x16xi32> to vector<16xi32>
      %swap3A_320 = vector.shape_cast %select_n3A_249 : vector<16xi32> to vector<1x16xi32>
      tpu.vector_store %arg7[%swap3A_316, %swap3A_317], %swap3A_320 {strides = array<i32>} : memref<2x256xi32, #tpu.memory_space<vmem>>, vector<1x16xi32>,
      %swap3A_321 = arith.constant 1 : i32
      %swap3A_322 = arith.index_cast %swap3A_321 : i32 to index
      %swap3A_323 = arith.index_cast %mul3A_10 : i32 to index
      %swap3A_324 = tpu.vector_load %arg7[%swap3A_322, %swap3A_323] {strides = array<i32>} : memref<2x256xi32, #tpu.memory_space<vmem>>, vector<1x16xi32>,
      %swap3A_325 = vector.shape_cast %swap3A_324 : vector<1x16xi32> to vector<16xi32>
      %swap3A_326 = vector.shape_cast %select_n3A_246 : vector<16xi32> to vector<1x16xi32>
      tpu.vector_store %arg7[%swap3A_322, %swap3A_323], %swap3A_326 {strides = array<i32>} : memref<2x256xi32, #tpu.memory_space<vmem>>, vector<1x16xi32>,
    }
    %scan3A_7 = arith.constant 16 : i32
    "tpu.region"() ({
      %run_scoped3A = tpu.sem_alloc : memref<!tpu.dma_semaphore, #tpu.memory_space<semaphore_mem>>
      %dma_start3A = arith.constant 0 : i32
      %dma_start3A_8 = tpu.memref_slice %arg3[%dma_start3A, %mul3A_2] : memref<2x8192xf32, #tpu.memory_space<hbm>> -> memref<2x256xf32, #tpu.memory_space<hbm>>
      %dma_start3A_9 = arith.constant 0 : i32
      %dma_start3A_10 = tpu.memref_slice %arg3[%dma_start3A_9, %mul3A_2] : memref<2x8192xf32, #tpu.memory_space<hbm>> -> memref<2x256xf32, #tpu.memory_space<hbm>>
      tpu.enqueue_dma source(%arg6 : memref<2x256xf32, #tpu.memory_space<vmem>>) target(%dma_start3A_10 : memref<2x256xf32, #tpu.memory_space<hbm>>) target_semaphore(%run_scoped3A : memref<!tpu.dma_semaphore, #tpu.memory_space<semaphore_mem>>)
      %dma_wait3A = arith.constant 0 : i32
      %dma_wait3A_11 = tpu.memref_slice %arg3[%dma_wait3A, %mul3A_2] : memref<2x8192xf32, #tpu.memory_space<hbm>> -> memref<2x256xf32, #tpu.memory_space<hbm>>
      %dma_wait3A_12 = arith.constant 0 : i32
      %dma_wait3A_13 = tpu.memref_slice %arg3[%dma_wait3A_12, %mul3A_2] : memref<2x8192xf32, #tpu.memory_space<hbm>> -> memref<2x256xf32, #tpu.memory_space<hbm>>
      tpu.wait_dma2 semaphore(%run_scoped3A : memref<!tpu.dma_semaphore, #tpu.memory_space<semaphore_mem>>) src(%arg6 : memref<2x256xf32, #tpu.memory_space<vmem>>) dst(%dma_wait3A_13 : memref<2x256xf32, #tpu.memory_space<hbm>>)
      tpu.yield
    }) : () -> ()
    "tpu.region"() ({
      %run_scoped3A = tpu.sem_alloc : memref<!tpu.dma_semaphore, #tpu.memory_space<semaphore_mem>>
      %dma_start3A = arith.constant 0 : i32
      %dma_start3A_8 = tpu.memref_slice %arg4[%dma_start3A, %mul3A_2] : memref<2x8192xi32, #tpu.memory_space<hbm>> -> memref<2x256xi32, #tpu.memory_space<hbm>>
      %dma_start3A_9 = arith.constant 0 : i32
      %dma_start3A_10 = tpu.memref_slice %arg4[%dma_start3A_9, %mul3A_2] : memref<2x8192xi32, #tpu.memory_space<hbm>> -> memref<2x256xi32, #tpu.memory_space<hbm>>
      tpu.enqueue_dma source(%arg7 : memref<2x256xi32, #tpu.memory_space<vmem>>) target(%dma_start3A_10 : memref<2x256xi32, #tpu.memory_space<hbm>>) target_semaphore(%run_scoped3A : memref<!tpu.dma_semaphore, #tpu.memory_space<semaphore_mem>>)
      %dma_wait3A = arith.constant 0 : i32
      %dma_wait3A_11 = tpu.memref_slice %arg4[%dma_wait3A, %mul3A_2] : memref<2x8192xi32, #tpu.memory_space<hbm>> -> memref<2x256xi32, #tpu.memory_space<hbm>>
      %dma_wait3A_12 = arith.constant 0 : i32
      %dma_wait3A_13 = tpu.memref_slice %arg4[%dma_wait3A_12, %mul3A_2] : memref<2x8192xi32, #tpu.memory_space<hbm>> -> memref<2x256xi32, #tpu.memory_space<hbm>>
      tpu.wait_dma2 semaphore(%run_scoped3A : memref<!tpu.dma_semaphore, #tpu.memory_space<semaphore_mem>>) src(%arg7 : memref<2x256xi32, #tpu.memory_space<vmem>>) dst(%dma_wait3A_13 : memref<2x256xi32, #tpu.memory_space<hbm>>)
      tpu.yield
    }) : () -> ()
    return
  }
}

module attributes {stable_mosaic.version = 14 : i64} {
  func.func @_logits_body(%arg0: i32, %arg1: memref<1024x2048xf32, #tpu.memory_space<vmem>>, %arg2: memref<16x2048xf32, #tpu.memory_space<vmem>>, %arg3: memref<16x1024xf32, #tpu.memory_space<vmem>>) attributes {dimension_semantics = [#tpu.dimension_semantics<arbitrary>], iteration_bounds = array<i64: 8>, scalar_prefetch = 0 : i64, scratch_operands = 0 : i64, tpu.core_type = #tpu.core_type<tc>, window_params = [{transform_indices = @transform_0, window_bounds = array<i64: 1024, 2048>}, {pipeline_mode = #tpu.pipeline_mode<synchronous>, transform_indices = @transform_1, window_bounds = array<i64: 16, 2048>}, {transform_indices = @transform_2, window_bounds = array<i64: 16, 1024>}]} {
    %get3A = arith.constant 0 : index
    %get3A_0 = arith.constant 0 : index
    %get3A_1 = vector.load %arg2[%get3A, %get3A_0] : memref<16x2048xf32, #tpu.memory_space<vmem>>, vector<16x2048xf32>
    %get3A_2 = arith.constant 0 : index
    %get3A_3 = arith.constant 0 : index
    %get3A_4 = vector.load %arg1[%get3A_2, %get3A_3] : memref<1024x2048xf32, #tpu.memory_space<vmem>>, vector<1024x2048xf32>
    %dot_general3A = arith.constant dense<0.000000e+00> : vector<16x1024xf32>
    %dot_general3A_5 = tpu.matmul %get3A_1, %get3A_4, %dot_general3A {dimension_numbers = #tpu.dot_dimension_numbers<[1], [1], [0], [0], [0, 0, 1, 0], [], []>, transpose_lhs_hint = false} : vector<16x2048xf32>, vector<1024x2048xf32>, vector<16x1024xf32> -> vector<16x1024xf32>
    %swap3A = arith.constant 0 : index
    %swap3A_6 = arith.constant 0 : index
    %swap3A_7 = vector.load %arg3[%swap3A, %swap3A_6] : memref<16x1024xf32, #tpu.memory_space<vmem>>, vector<16x1024xf32>
    tpu.vector_store %arg3[%swap3A, %swap3A_6], %dot_general3A_5 {strides = array<i32>} : memref<16x1024xf32, #tpu.memory_space<vmem>>, vector<16x1024xf32>,
    return
  }
  func.func @transform_0(%arg0: i32) -> (i32, i32) {
    %c0_i32 = arith.constant 0 : i32
    %c0_i32_0 = arith.constant 0 : i32
    return %arg0, %c0_i32 : i32, i32
  }
  func.func @transform_1(%arg0: i32) -> (i32, i32) {
    %c0_i32 = arith.constant 0 : i32
    %c0_i32_0 = arith.constant 0 : i32
    %c0_i32_1 = arith.constant 0 : i32
    return %c0_i32, %c0_i32_0 : i32, i32
  }
  func.func @transform_2(%arg0: i32) -> (i32, i32) {
    %c0_i32 = arith.constant 0 : i32
    %c0_i32_0 = arith.constant 0 : i32
    return %c0_i32, %arg0 : i32, i32
  }
}

</mosaic_0001>

<sc_bundles>
// kernel: kernel.4.cloned.1.call-start
scs
__scs_entry_jumppad:
0x0: {  	(pc) =	sbr.rel $0x88, $3  }
0x1: {  	(tag) =	ssettag $0x0;
	lr =	simm.s32 $0x1  }
0x2: {  	[smem:$0x3F9F] =	sst lr;
	_ =	strace $0xD0000000  }
0x3: {  	_ = 	snop  }
0x4: {  	_ = 	snop  }
0x5: {  	_ = 	snop  }
0x6: {  	_ = 	snop  }
0x7: {  	_ = 	snop  }
__scs_overlays_trampoline_lowered:
0x8: {  	[smem:$0x3FAE] =	sst s0  }
0x9: {  	[smem:$0x3FAF] =	sst s1  }
0xa: {  	[smem:$0x3FB0] =	sst s2  }
0xb: {  	[smem:$0x3FB1] =	sst s3  }
0xc: {  	[smem:$0x3FB2] =	sst s4  }
0xd: {  	[smem:$0x3FB3] =	sst s5  }
0xe: {  	[smem:$0x3FB4] =	sst s6  }
0xf: {  	[smem:$0x3FB5] =	sst s7  }
0x10: {  	[smem:$0x3FB6] =	sst s8  }
0x11: {  	[smem:$0x3FB7] =	sst s9;
	s0 =	simm.s32 @!p0 $0x0  }
0x12: {  	s1 =	sld [smem:$0x3F9D];
	s0 =	simm.s32 @p0 $0x1  }
0x13: {  	[smem:$0x3FB8] =	sst s0;
	s0 =	simm.s32 @!p1 $0x0  }
0x14: {  	s2 =	sld [smem:$0x3F9C];
	s0 =	simm.s32 @p1 $0x1  }
0x15: {  	[smem:$0x3FB9] =	sst s0;
	s0 =	simm.s32 @!p2 $0x0  }
0x16: {  	s3 =	sld [smem:$0x3FDB];
	s0 =	simm.s32 @p2 $0x1  }
0x17: {  	s4 =	simm.s32 $0x1BF5;
	[smem:$0x3FBB] =	sst s0  }
0x18: {  	s0 =	sld [smem:$0x3F9E];
	_ =	swait.ge [sflag:s4], $0x0  }
0x19: {  	s7 =	sld [smem:$0x3F9F]  }
0x1a: {  	s8 =	sadd.s32 $0xFFFFE003, lr  }
0x1b: {  	s9 =	sadd.s32 $0xFFFFFEF7, lr;
	s5 =	simm.s32 $0xFFFFFFFF;
	p2 =	slt.u32 s8, $0xFFFFF086  }
0x1c: {  	p1 =	slt.u32 s9, $0xF7A;
	s5 =	simm.s32 @!p2 $0x0  }
0x1d: {  	s5 =	simm.s32 @p1 $0x1;
	p0 =	seq.s32 s7, s2  }
0x1e: {  	s7 =	smul.u32 @!p0 $0xF7A, s2;
	p2 =	seq.s32 @!p0 s5, $0x0  }
0x1f: {  	s9 =	smul.u32 $0xF7A, s1;
	s8 =	simm.s32 @!p0 $0x1BF5;
	p2 =	por !p2, p0  }
0x20: {  	[sflag:s8] =	ssyncset.s32 @!p0 $0xFFFFF086;
	s6 =	sadd.s32 @!p0 s3, s7;
	s7 =	simm.s32 @!p0 $0x108  }
0x21: {  	s3 =	sadd.s32 s3, s9;
	s6 =	sadd.s32 @!p0 $0x88, s6;
	s7 =	simm.s32 @p2 $0x1082  }
0x22: {  	[simem:s7], [sflag:s8] =	dma.local @!p0 [hbm:s6], $0xF7A  }
0x23: {  	s9 =	sor.u32 $0xD0000000, s2;
	s6 =	simm.s32 $0x108;
	_ =	swait.ge @!p0 [sflag:s8], $0x0  }
0x24: {  	s3 =	sadd.s32 $0x88, s3;
	s6 =	simm.s32 @!p1 $0x1082;
	[sflag:s4] =	ssyncset.s32 $0xFFFFF086  }
0x25: {  	[simem:s6], [sflag:s4] =	dma.local [hbm:s3], $0xF7A  }
0x26: {  	[smem:$0x3F9F] =	sst s1;
	(tag) =	ssettag s2;
	_ =	strace s9  }
0x27: {  	s1 =	sld [smem:$0x3FAF]  }
0x28: {  	s2 =	sld [smem:$0x3FB0]  }
0x29: {  	s4 =	sld [smem:$0x3FB2]  }
0x2a: {  	p0 =	seq.s32 s5, $0x0;
	s5 =	sld [smem:$0x3FB3]  }
0x2b: {  	s6 =	sld [smem:$0x3FB4]  }
0x2c: {  	s7 =	sld [smem:$0x3FB5]  }
0x2d: {  	s3 =	simm.s32 $0x108;
	s8 =	sld [smem:$0x3FB6]  }
0x2e: {  	s3 =	simm.s32 @!p0 $0x1082;
	s9 =	sld [smem:$0x3FB7]  }
0x2f: {  	lr =	sadd.s32 s0, s3;
	s0 =	sld [smem:$0x3FAE]  }
0x30: {  	s3 =	sld [smem:$0x3FB1]  }
0x31: {  	[smem:$0x3FBA] =	sst s10  }
0x32: {  	s10 =	sld [smem:$0x3FB8];
	_ =	sdelay $0x3  }
0x33: {  	p0 =	seq.s32 s10, $0x1;
	s10 =	sld [smem:$0x3FBA];
	_ =	sdelay $0x3  }
0x34: {  	[smem:$0x3FBA] =	sst s10  }
0x35: {  	s10 =	sld [smem:$0x3FB9];
	_ =	sdelay $0x3  }
0x36: {  	p1 =	seq.s32 s10, $0x1;
	s10 =	sld [smem:$0x3FBA];
	_ =	sdelay $0x3  }
0x37: {  	[smem:$0x3FBA] =	sst s10  }
0x38: {  	s10 =	sld [smem:$0x3FBB]  }
0x39: {  	_ = 	snop;
	(pc) =	sbr.ind lr, $3  }
0x3a: {  	_ = 	snop  }
0x3b: {  	_ = 	snop  }
0x3c: {  	p2 =	seq.s32 s10, $0x1;
	s10 =	sld [smem:$0x3FBA]  }
0x3d: {  	_ =	shalt  }
0x3e: {  	_ =	shalt  }
0x3f: {  	_ =	shalt  }
0x40: {  	_ =	shalt  }
0x41: {  	_ =	shalt  }
0x42: {  	_ =	shalt  }
0x43: {  	_ =	shalt  }
0x44: {  	_ =	shalt  }
0x45: {  	_ =	shalt  }
0x46: {  	_ =	shalt  }
0x47: {  	_ =	shalt  }
0x48: {  	_ =	shalt  }
0x49: {  	_ =	shalt  }
0x4a: {  	_ =	shalt  }
0x4b: {  	_ =	shalt  }
0x4c: {  	_ =	shalt  }
0x4d: {  	_ =	shalt  }
0x4e: {  	_ =	shalt  }
0x4f: {  	_ =	shalt  }
0x50: {  	_ =	shalt  }
0x51: {  	_ =	shalt  }
0x52: {  	_ =	shalt  }
0x53: {  	_ =	shalt  }
0x54: {  	_ =	shalt  }
0x55: {  	_ =	shalt  }
0x56: {  	_ =	shalt  }
0x57: {  	_ =	shalt  }
0x58: {  	_ =	shalt  }
0x59: {  	_ =	shalt  }
0x5a: {  	_ =	shalt  }
0x5b: {  	_ =	shalt  }
0x5c: {  	_ =	shalt  }
0x5d: {  	_ =	shalt  }
0x5e: {  	_ =	shalt  }
0x5f: {  	_ =	shalt  }
0x60: {  	_ =	shalt  }
0x61: {  	_ =	shalt  }
0x62: {  	_ =	shalt  }
0x63: {  	_ =	shalt  }
0x64: {  	_ =	shalt  }
0x65: {  	_ =	shalt  }
0x66: {  	_ =	shalt  }
0x67: {  	_ =	shalt  }
0x68: {  	_ =	shalt  }
0x69: {  	_ =	shalt  }
0x6a: {  	_ =	shalt  }
0x6b: {  	_ =	shalt  }
0x6c: {  	_ =	shalt  }
0x6d: {  	_ =	shalt  }
0x6e: {  	_ =	shalt  }
0x6f: {  	_ =	shalt  }
0x70: {  	_ =	shalt  }
0x71: {  	_ =	shalt  }
0x72: {  	_ =	shalt  }
0x73: {  	_ =	shalt  }
0x74: {  	_ =	shalt  }
0x75: {  	_ =	shalt  }
0x76: {  	_ =	shalt  }
0x77: {  	_ =	shalt  }
0x78: {  	_ =	shalt  }
0x79: {  	_ =	shalt  }
0x7a: {  	_ =	shalt  }
0x7b: {  	_ =	shalt  }
0x7c: {  	_ =	shalt  }
0x7d: {  	_ =	shalt  }
0x7e: {  	_ =	shalt  }
0x7f: {  	_ =	shalt  }
0x80: {  	_ =	shalt  }
0x81: {  	_ =	shalt  }
0x82: {  	_ =	shalt  }
0x83: {  	_ =	shalt  }
0x84: {  	_ =	shalt  }
0x85: {  	_ =	shalt  }
0x86: {  	_ =	shalt  }
0x87: {  	_ =	shalt  }
.Lfunc_end0:
.L_simem_size_0:
called_computation_lowered:
.L_overlay_start_0:
0x88: {  	s2 =	sld [smem:$0x3FD9]  }
0x89: {  	s3 =	sld [smem:$0x3FFE];
	_ =	sdelay $0x1  }
0x8a: {  	s1 =	srdreg.scid  }
0x8b: {  	s0 =	sand.u32 $0x1, s1  }
0x8c: {  	s14 =	sshll.u32 s0, $0xA;
	s2 =	sadd.s32 s3, s2  }
0x8d: {  	s2 =	sadd.s32 s2, s14  }
0x8e: {  	[smem:$0x3FC6] =	sst s2  }
0x8f: {  	_ = 	snop  }
0x90: {  	s2 =	sld [smem:$0x3FD0];
	_ =	sdelay $0x2  }
0x91: {  	s15 =	simm.s32 $0xA;
	s4 =	simm.s32 $0x10  }
0x92: {  	[smem:s4], [sflag:s15] =	dma.local [hbm:s2], $0x1  }
0x93: {  	_ =	swait.eq [sflag:s15], $0x1  }
0x94: {  	[sflag:s15] =	ssyncset.done $0x0  }
0x95: {  	s16 =	sld [smem:$0x10];
	[sflag:s15] =	ssyncadd.s32 $0xFFFFFFFF  }
0x96: {  	s17 =	sld [smem:$0x11];
	(tm) =	ssettm $0x1  }
0x97: {  	s18 =	sld [smem:$0x3FFB];
	_ =	sdelay $0x3  }
0x98: {  	_ =	strace s18  }
0x99: {  	s4 =	sld [smem:$0x3FFC];
	_ =	sdelay $0x3  }
0x9a: {  	_ =	strace s4  }
0x9b: {  	s4 =	sld [smem:$0x3FFD];
	_ =	sdelay $0x3  }
0x9c: {  	_ =	strace s4  }
0x9d: {  	_ =	strace $0x8FFFFFFF  }
0x9e: {  	s19 =	sld [smem:$0x3FDB];
	_ =	sdelay $0x1  }
0x9f: {  	s5 =	simm.s32 $_scs_section_size  }
0xa0: {  	s6 =	simm.s32 $_size__tile_overlayer_lowered;
	s7 =	simm.s32 $_tile_overlayer_lowered  }
0xa1: {  	s22 =	simm.s32 $0x1BFF;
	s21 =	sshll.u32 s7, $0x1;
	s4 =	sadd.s32 s5, s19  }
0xa2: {  	s8 =	simm.s32 $0x0;
	s20 =	sshll.u32 s6, $0x1;
	s6 =	sadd.s32 s21, s4  }
0xa3: {  	[timem:s8], [sflag:s22] =	dma.local [hbm:s6], s20  }
0xa4: {  	_ =	swait.ge [sflag:s22], s20  }
0xa5: {  	s5 =	ssub.s32 $0x0, s20;
	[sflag:s22] =	ssyncset.done $0x0  }
0xa6: {  	[sflag:s22] =	ssyncadd.s32 s5;
	_ =	sdelay $0x1  }
0xa7: {  	s23 =	simm.s32 $0x1B8B  }
0xa8: {  	_ =	swait.ge [sflag:s23], $0x1  }
0xa9: {  	[sflag:s23] =	ssyncset.done $0x0  }
0xaa: {  	s25 =	simm.s32 $0x1B8E;
	s24 =	sld [smem:$0x3FFE];
	[sflag:s23] =	ssyncadd.s32 $0xFFFFFFFF  }
0xab: {  	s26 =	simm.s32 $execute0_lowered;
	[smem:$0x3FD2] =	sst s25  }
0xac: {  	s6 =	sshll.u32 s26, $0x1;
	_ =	strace $0x80000046;
	[dreg:$0x1] =	wrdreg $0xFFFFFFFF  }
0xad: {  	s28 =	simm.s32 $_size_execute0_lowered;
	s4 =	sadd.s32 s4, s6;
	[dreg:$0x0] =	wrdreg $0x0  }
0xae: {  	s6 =	sshll.u32 s28, $0x1;
	[dreg:$0x2] =	wrdreg s4  }
0xaf: {  	[dreg:$0x3] =	wrdreg s6  }
0xb0: {  	[dreg:$0x4] =	wrdreg $0xC0  }
0xb1: {  	_ =	task [dreg:s8], $0x5FFFF  }
0xb2: {  	[dreg:$0x1] =	wrdreg $0xFFFFFFFF  }
0xb3: {  	[dreg:$0x0] =	wrdreg $0x60  }
0xb4: {  	[dreg:$0x2] =	wrdreg s24  }
0xb5: {  	[dreg:$0x3] =	wrdreg s16  }
0xb6: {  	[dreg:$0x4] =	wrdreg s17  }
0xb7: {  	[dreg:$0x5] =	wrdreg $0x9  }
0xb8: {  	_ =	task.clear_ibuf [dreg:s8], $0x6FFFF;
	_ =	strace $0x90000046  }
0xb9: {  	s29 =	simm.s32 $0x9;
	_ =	strace $0x80000048  }
0xba: {  	_ =	swait.ge [sflag:s29], $0x1  }
0xbb: {  	[sflag:s29] =	ssyncadd.s32 $0xFFFFFFFF  }
0xbc: {  	_ =	strace $0x90000048  }
0xbd: {  	_ =	sfence  }
0xbe: {  	s30 =	sld [smem:$0x0];
	_ =	sdelay $0x2  }
0xbf: {  	s31 =	sshll.u32 s1, $0xD;
	s1 =	sshrl.u32 s1, $0x2  }
0xc0: {  	s3 =	sand.u32 $0x4000, s31;
	s1 =	sadd.s32 s1, s30  }
0xc1: {  	s0 =	sor.u32 s3, s0;
	s1 =	sshll.u32 s1, $0x11  }
0xc2: {  	s0 =	sor.u32 s1, s0  }
0xc3: {  	s0 =	sadd.s32 $0x8F2B, s0  }
0xc4: {  	[sflag:s0] =	ssyncadd.remote.s32 $0x1  }
0xc5: {  	_ =	sfence.sel $0xFFFF  }
0xc6: {  	[dreg:$0x0] =	wrdreg $0xFFFFFFFF;
	(pc) =	sbr.abs _section_cstart, $3  }
0xc7: {  	[dreg:$0x1] =	wrdreg $0xFFFFFFFF  }
0xc8: {  	_ =	task.clear_ibuf [dreg:s8], $0x2FFFF;
	_ =	strace $0x9FFFFFFF  }
0xc9: {  	(tm) =	ssettm $0x7FFFFFFF  }
tec
execute0_lowered:
.L_overlay_start_1:
0x0: {  	(tag) =	ssettag $0x1  }
0x1: {  	s3 =	rddreg [dreg:$0x0]  }
0x2: {  	s4 =	rddreg [dreg:$0x1]  }
0x3: {  	s5 =	rddreg [dreg:$0x2];
	s2 =	srdreg.scid  }
0x4: {  	s0 =	rddreg [dreg:$0x3];
	s1 =	stileid.u32;
	s9 =	simm.s32 $0x1  }
0x5: {  	s10 =	simm.s32 $0x1000;
	s11 =	simm.s32 $0x1200;
	s12 =	simm.s32 $0x0  }
0x6: {  	s6 =	sand.u32 $0x1, s2;
	s2 =	simm.s32 $0x0;
	s7 =	sshll.u32 s1, $0x9  }
0x7: {  	s8 =	sshll.u32 s6, $0x8;
	[smem:$0x7FF] =	sst s2;
	s6 =	ssub.s32 $0x2, s6  }
0x8: {  	s7 =	sor.u32 s8, s7;
	_ =	strace $0x80000047;
	s31 =	sshrl.u32 s6, $0x1  }
0x9: {  	s8 =	simm.s32 $0x10000;
	s3 =	sadd.s32 s7, s3;
	s7 =	sshrl.u32 s7, $0x2  }
0xa: {  	s6 =	ssub.s32 s6, s31;
	s3 =	sadd.s32 $0xC00, s3;
	s4 =	sadd.s32 s4, s7  }
0xb: {  	v0 =	vimm.s32 $0x0;
	s5 =	sadd.s32 s5, s7;
	s6 =	smax.u32 s6, $0x1;
	s7 =	simm.s32 $0x800  }
.LBB2_1:
0xc: {  	[tilespmem:s2], [sflag:$0x1] =	stream.strided.gather [hbm4b:s3+s7], $0x1000, s8, s7, $0x38;
	[tilespmem:$0x1400] =	vst v63  }
0xd: {  	s13 =	simm.s32 $0x0;
	_ =	swait.ge [sflag:s9], $0x1000  }
0xe: {  	s15 =	sand.u32 $0x70, s2;
	s13 =	sand.u32 $0x3FFFFC00, s13;
	[sflag:s9] =	ssyncset.done $0x0  }
0xf: {  	s13 =	sor.u32 s15, s13;
	[sflag:s9] =	ssyncadd.s32 $0xFFFFF000  }
0x10: {  	v6 =	vld [tilespmem:s13+$0x0];
	_ =	sdelay $0x1  }
0x11: {  	v7 =	vld [tilespmem:s13+$0x80];
	_ =	sdelay $0x2  }
0x12: {  	v8 =	vld [tilespmem:s13+$0x100];
	vm0 =	vgt.f32 v6, $-Inf  }
0x13: {  	v3 =	vnsel vm0, $0xFF800000, v6  }
0x14: {  	v9 =	vld [tilespmem:s13+$0x180];
	vm15 =	vgt.f32 v7, v3  }
0x15: {  	vm3 =	vmneg vm15  }
0x16: {  	v10 =	vld [tilespmem:s13+$0x200];
	v4 =	vsel vm3, v3, v7  }
0x17: {  	vm13 =	vgt.f32 v8, v4  }
0x18: {  	v11 =	vld [tilespmem:s13+$0x280];
	v12 =	vsel vm13, v8, v4  }
0x19: {  	vm12 =	vgt.f32 v9, v12  }
0x1a: {  	v13 =	vld [tilespmem:s13+$0x300];
	v14 =	vsel vm12, v9, v12  }
0x1b: {  	vm11 =	vgt.f32 v10, v14  }
0x1c: {  	v15 =	vld [tilespmem:s13+$0x380];
	v16 =	vsel vm11, v10, v14  }
0x1d: {  	vm10 =	vgt.f32 v11, v16  }
0x1e: {  	v17 =	vld [tilespmem:s13+$0x800];
	v18 =	vsel vm10, v11, v16  }
0x1f: {  	vm9 =	vgt.f32 v13, v18  }
0x20: {  	v19 =	vld [tilespmem:s13+$0x880];
	v20 =	vsel vm9, v13, v18  }
0x21: {  	vm8 =	vgt.f32 v15, v20  }
0x22: {  	v21 =	vld [tilespmem:s13+$0x900];
	v22 =	vsel vm8, v15, v20  }
0x23: {  	vm7 =	vgt.f32 v17, v22  }
0x24: {  	v23 =	vld [tilespmem:s13+$0x980];
	v24 =	vsel vm7, v17, v22  }
0x25: {  	vm5 =	vgt.f32 v19, v24  }
0x26: {  	v25 =	vld [tilespmem:s13+$0xA00];
	v26 =	vsel vm5, v19, v24  }
0x27: {  	v1 =	vimm.s32 $0x0;
	vm6 =	vgt.f32 v21, v26  }
0x28: {  	v1 =	vsel vm5, $0xFFFFFFFF, v1;
	v28 =	vsel vm6, v21, v26  }
0x29: {  	v27 =	vld [tilespmem:s13+$0xA80];
	[tilespmem:$0x1FFF0] =	vst v1;
	v1 =	vimm.s32 $0x0;
	vm4 =	vgt.f32 v23, v28  }
0x2a: {  	vm1 =	vlt.f32 v7, $-Inf;
	v1 =	vsel vm4, $0xFFFFFFFF, v1;
	v29 =	vsel vm4, v23, v28  }
0x2b: {  	v2 =	vld [tilespmem:s13+$0xB00];
	vm2 =	vgt.f32 v7, $-Inf;
	[tilespmem:$0x1FF40] =	vst v1;
	vm0 =	vgt.f32 v25, v29;
	v1 =	vimm.s32 $0x0  }
0x2c: {  	vm2 =	vmor vm2, vm1;
	v1 =	vsel vm0, $0xFFFFFFFF, v1  }
0x2d: {  	v31 =	vimm.s32 $0x0;
	v5 =	vnsel vm2, $0xFF800000, v7;
	v30 =	vsel vm0, v25, v29;
	[tilespmem:$0x1FF50] =	vst v1;
	v1 =	vld [tilespmem:s13+$0xB80]  }
0x2e: {  	v49 =	vimm.s32 $0x0;
	v3 =	vsel vm3, v5, v3;
	vm14 =	vgt.f32 v27, v30  }
0x2f: {  	v50 =	vimm.s32 $0x0;
	vm4 =	vgt.f32 v8, v3;
	v5 =	vsel vm14, v27, v30  }
0x30: {  	v52 =	vimm.s32 $0x0;
	v3 =	vsel vm4, v8, v3;
	vm0 =	vgt.f32 v2, v5  }
0x31: {  	v53 =	vimm.s32 $0x0;
	v4 =	vsel vm13, v4, v3;
	v3 =	vsel vm0, v2, v5  }
0x32: {  	vm1 =	vgt.f32 v9, v4;
	v31 =	vsel vm0, $0xFFFFFFFF, v31;
	vm0 =	vgt.f32 v1, v3  }
0x33: {  	v56 =	vimm.s32 $0x0;
	v51 =	vsel vm1, v9, v4;
	v4 =	vsel vm0, v1, v3  }
0x34: {  	v58 =	vimm.s32 $0x0;
	v62 =	vimm.s32 $0x0;
	v6 =	vsub.f32 v6, v4  }
0x35: {  	v12 =	vsel vm12, v12, v51;
	v7 =	vsub.f32 v7, v4;
	v8 =	vsub.f32 v8, v4  }
0x36: {  	[tilespmem:$0x1FFA0] =	vst v31;
	v31 =	vsel vm1, $0xFFFFFFFF, v49;
	v55 =	vsub.f32 v9, v4;
	v57 =	vsub.f32 v10, v4  }
0x37: {  	[tilespmem:$0x1FF60] =	vst v31;
	v31 =	vsel vm0, $0xFFFFFFFF, v50;
	v59 =	vsub.f32 v11, v4;
	v60 =	vsub.f32 v13, v4  }
0x38: {  	vm0 =	vgt.f32 v10, v12;
	v63 =	vsub.f32 v15, v4;
	v32 =	vsub.f32 v21, v4  }
0x39: {  	[tilespmem:$0x1FFC0] =	vst v31;
	v31 =	vsel vm0, $0xFFFFFFFF, v52;
	v34 =	vsub.f32 v23, v4;
	v36 =	vsub.f32 v25, v4  }
0x3a: {  	v12 =	vsel vm0, v10, v12;
	v39 =	vsub.f32 v27, v4;
	v41 =	vsub.f32 v2, v4  }
0x3b: {  	v12 =	vsel vm11, v14, v12;
	v6 =	vmul.f32 $1.442695020e+00, v6;
	v7 =	vmul.f32 $1.442695020e+00, v7  }
0x3c: {  	vm0 =	vgt.f32 v11, v12;
	v8 =	vmul.f32 $1.442695020e+00, v8;
	v14 =	vmul.f32 $1.442695020e+00, v63  }
0x3d: {  	v54 =	vsel vm0, v11, v12;
	(erf) = vpow2.f32 v6;
	v6 =	vsel vm0, $0xFFFFFFFF, v53  }
0x3e: {  	v42 =	vmul.f32 $1.442695020e+00, v39;
	v44 =	vmul.f32 $1.442695020e+00, v41;
	[tilespmem:$0x1FF80] =	vst v6;
	v6 =	vsel vm10, v16, v54  }
0x3f: {  	v11 =	vmul.f32 $1.442695020e+00, v32;
	(erf) = vpow2.f32 v7;
	vm0 =	vgt.f32 v13, v6  }
0x40: {  	v7 =	vmul.f32 $1.442695020e+00, v55;
	v16 =	vimm.s32 $0x0;
	v6 =	vsel vm0, v13, v6  }
0x41: {  	v48 =	vld [tilespmem:$0x1FF60];
	(erf) = vpow2.f32 v8;
	v8 =	vmul.f32 $1.442695020e+00, v57;
	v6 =	vsel vm9, v18, v6  }
0x42: {  	v9 =	vsel vm0, $0xFFFFFFFF, v56;
	(erf) = vpow2.f32 v7;
	vm0 =	vgt.f32 v15, v6  }
0x43: {  	v13 =	vsub.f32 v17, v4;
	(erf) = vpow2.f32 v8;
	v6 =	vsel vm0, v15, v6  }
0x44: {  	v38 =	vld [tilespmem:$0x1FF40];
	[tilespmem:$0x1FF90] =	vst v9;
	v9 =	vmul.f32 $1.442695020e+00, v60;
	v7 =	vsel vm0, $0xFFFFFFFF, v58;
	v6 =	vsel vm8, v20, v6  }
0x45: {  	v18 =	vmul.f32 $1.442695020e+00, v13;
	[tilespmem:$0x1FFB0] =	vst v7;
	v7 =	vmul.f32 $1.442695020e+00, v59;
	vm1 =	vgt.f32 v17, v6  }
0x46: {  	vm0 =	vmand vm2, vm3;
	vm3 =	vnez.u8 v48;
	v61 =	vpop (erf);
	v10 =	vsel vm1, $0xFFFFFFFF, v62  }
0x47: {  	v6 =	vsel vm1, v17, v6;
	(erf) = vpow2.f32 v7;
	v8 =	vadd.f32 $0.0e+00, v61  }
0x48: {  	v17 =	vsel vm15, $0x1, v0;
	v12 =	vpop (erf);
	v6 =	vsel vm7, v22, v6;
	(erf) = vpow2.f32 v9  }
0x49: {  	v22 =	vsel vm0, $0x1, v0;
	vm0 =	vnez.u8 v38;
	v7 =	vadd.f32 v8, v12  }
0x4a: {  	[tilespmem:$0x1FF70] =	vst v31;
	v15 =	vpop (erf);
	vm1 =	vgt.f32 v19, v6;
	(erf) = vpow2.f32 v14;
	v31 =	vsel vm4, $0x2, v22  }
0x4b: {  	v6 =	vsel vm1, v19, v6;
	v19 =	vsub.f32 v19, v4;
	v7 =	vadd.f32 v7, v15  }
0x4c: {  	[tilespmem:$0x1FFD0] =	vst v10;
	vm4 =	vmmov vm6;
	v10 =	vsel vm1, $0xFFFFFFFF, v16;
	v20 =	vpop (erf);
	(erf) = vpow2.f32 v18  }
0x4d: {  	v6 =	vsel vm5, v24, v6;
	v24 =	vmul.f32 $1.442695020e+00, v19;
	v7 =	vadd.f32 v7, v20  }
0x4e: {  	v9 =	vsel vm13, v17, v31;
	v8 =	vmul.f32 $1.442695020e+00, v34;
	v12 =	vmul.f32 $1.442695020e+00, v36;
	v33 =	vpop (erf)  }
0x4f: {  	v51 =	vld [tilespmem:$0x1FF70];
	vm15 =	vgt.f32 v21, v6;
	(erf) = vpow2.f32 v24;
	v7 =	vadd.f32 v7, v33  }
0x50: {  	[tilespmem:$0x1FFE0] =	vst v10;
	v10 =	vsel vm13, $0x2, v17;
	v9 =	vsel vm3, $0x3, v9;
	v6 =	vsel vm15, v21, v6;
	v35 =	vpop (erf)  }
0x51: {  	v45 =	vld [tilespmem:$0x1FF50];
	v6 =	vsel vm6, v26, v6;
	(erf) = vpow2.f32 v11;
	v7 =	vadd.f32 v7, v35  }
0x52: {  	v49 =	vsel vm12, v10, v9;
	v10 =	vsel vm12, $0x3, v10;
	vm2 =	vgt.f32 v23, v6;
	v37 =	vpop (erf)  }
0x53: {  	v54 =	vld [tilespmem:$0x1FF80];
	v6 =	vsel vm2, v23, v6;
	(erf) = vpow2.f32 v8;
	v7 =	vadd.f32 v7, v37  }
0x54: {  	vm12 =	vnez.u8 v51;
	v53 =	vsel vm11, $0x4, v10;
	v6 =	vsel vm0, v28, v6;
	v40 =	vpop (erf)  }
0x55: {  	v58 =	vld [tilespmem:$0x1FF90];
	vm1 =	vgt.f32 v25, v6;
	(erf) = vpow2.f32 v12;
	v7 =	vadd.f32 v7, v40  }
0x56: {  	vm6 =	vnez.u8 v45;
	v8 =	vsel vm12, $0x4, v49;
	v6 =	vsel vm1, v25, v6;
	v43 =	vpop (erf)  }
0x57: {  	v59 =	vld [tilespmem:$0x1FFA0];
	(erf) = vpow2.f32 v42;
	v6 =	vsel vm6, v29, v6;
	v7 =	vadd.f32 v7, v43  }
0x58: {  	v8 =	vsel vm11, v10, v8;
	vm11 =	vnez.u8 v54;
	vm13 =	vgt.f32 v27, v6;
	v47 =	vpop (erf)  }
0x59: {  	v8 =	vsel vm11, $0x5, v8;
	v6 =	vsel vm13, v27, v6;
	v7 =	vadd.f32 v7, v47  }
0x5a: {  	vm12 =	vnez.u8 v58;
	v8 =	vsel vm10, v53, v8;
	v6 =	vsel vm14, v30, v6;
	v52 =	vpop (erf)  }
0x5b: {  	(erf) = vpow2.f32 v44;
	vm11 =	vgt.f32 v2, v6;
	v7 =	vadd.f32 v7, v52  }
0x5c: {  	v8 =	vsel vm12, $0x6, v8;
	vm12 =	vnez.u8 v59;
	v2 =	vsel vm11, v2, v6;
	v55 =	vpop (erf)  }
0x5d: {  	v62 =	vld [tilespmem:$0x1FFC0];
	v2 =	vsel vm12, v5, v2;
	v56 =	vadd.f32 v7, v55  }
0x5e: {  	v46 =	vsub.f32 v1, v4;
	v5 =	vpop (erf)  }
0x5f: {  	v61 =	vld [tilespmem:$0x1FFB0];
	v57 =	vsel vm10, $0x5, v53;
	vm10 =	vgt.f32 v1, v2;
	v5 =	vadd.f32 v56, v5  }
0x60: {  	v50 =	vmul.f32 $1.442695020e+00, v46;
	v1 =	vsel vm10, v1, v2;
	v2 =	vpop (erf)  }
0x61: {  	v2 =	vadd.f32 v5, v2;
	v5 =	vld [tilespmem:$0x1FFD0]  }
0x62: {  	vm3 =	vnez.u8 v62;
	(erf) = vpow2.f32 v50  }
0x63: {  	v60 =	vsel vm9, $0x6, v57;
	v1 =	vsel vm3, v3, v1  }
0x64: {  	v8 =	vsel vm9, v57, v8;
	vm9 =	vnez.u8 v61;
	v1 =	vsub.f32 v1, v4;
	v4 =	vpop (erf)  }
0x65: {  	v7 =	vsel vm9, $0x7, v8;
	v2 =	vadd.f32 v2, v4;
	v4 =	vld [tilespmem:$0x1FFE0]  }
0x66: {  	v63 =	vld [tilespmem:$0x1FFF0];
	v7 =	vsel vm8, v60, v7;
	vm9 =	vnez.u8 v5  }
0x67: {  	v3 =	vsel vm8, $0x7, v60;
	v5 =	vsel vm9, $0x8, v7  }
0x68: {  	v5 =	vsel vm7, v3, v5;
	_ =	sdelay $0x1  }
0x69: {  	v1 =	vmul.f32 $1.442695020e+00, v1;
	vm8 =	vnez.u8 v4  }
0x6a: {  	vm9 =	vnez.u8 v63;
	v3 =	vsel vm7, $0x8, v3;
	v4 =	vsel vm8, $0x9, v5;
	v5 =	vpop (erf)  }
0x6b: {  	v4 =	vsel vm9, v3, v4;
	v2 =	vadd.f32 v2, v5  }
0x6c: {  	v3 =	vsel vm9, $0x9, v3;
	v4 =	vsel vm15, $0xA, v4;
	(erf) = vpow2.f32 v1  }
0x6d: {  	v1 =	vsel vm4, v3, v4;
	(erf) = vrcp.f32 v2  }
0x6e: {  	v1 =	vsel vm2, $0xB, v1;
	v2 =	vsel vm4, $0xA, v3  }
0x6f: {  	v1 =	vsel vm0, v2, v1  }
0x70: {  	v2 =	vsel vm0, $0xB, v2;
	v1 =	vsel vm1, $0xC, v1  }
0x71: {  	v1 =	vsel vm6, v2, v1  }
0x72: {  	v2 =	vsel vm6, $0xC, v2;
	v1 =	vsel vm13, $0xD, v1  }
0x73: {  	v1 =	vsel vm14, v2, v1  }
0x74: {  	s14 =	simm.s32 $0x1;
	s31 =	simm.s32 $0x0;
	v2 =	vsel vm14, $0xD, v2;
	v1 =	vsel vm11, $0xE, v1  }
0x75: {  	s16 =	simm.s32 $0x2;
	s18 =	simm.s32 $0x80;
	s17 =	sand.u32 $0xFFFFFF00, s31;
	v3 =	vpop (erf);
	v1 =	vsel vm12, v2, v1  }
0x76: {  	s20 =	sor.u32 s15, s17;
	s19 =	sor.u32 s17, s2;
	s13 =	simm.s32 $0x10;
	v2 =	vsel vm12, $0xE, v2;
	v4 =	vsel vm10, $0xF, v1;
	v5 =	vpop (erf)  }
0x77: {  	s17 =	sand.u32 $0x3FFFFC00, s18;
	s21 =	sor.u32 $0x80, s19;
	s15 =	sand.u32 $0x70, s13;
	v1 =	vsel vm3, $0xF, v2;
	v2 =	vsel vm3, v2, v4;
	[tilespmem:s20+$0x1000] =	vst v5;
	v3 =	vmul.f32 v5, v3  }
.LBB2_2:
0x78: {  	p0 =	sne.s32 s16, $0xF;
	s19 =	sor.u32 s15, s17  }
0x79: {  	s18 =	smov.u32 s16;
	s16 =	sadd.s32 $0x1, s16;
	s17 =	smov.u32 s13  }
0x7a: {  	[tilespmem:s21+$0x1000] =	vst v3  }
0x7b: {  	[tilespmem:s20+$0x1200] =	vst v1  }
0x7c: {  	[tilespmem:s21+$0x1200] =	vst v2  }
0x7d: {  	v2 =	vld [tilespmem:s19+$0x0]  }
0x7e: {  	v1 =	vld [tilespmem:s19+$0x80];
	_ =	sdelay $0x2  }
0x7f: {  	v3 =	vld [tilespmem:s19+$0x100]  }
0x80: {  	vm0 =	vgt.f32 v2, $-Inf  }
0x81: {  	v4 =	vld [tilespmem:s19+$0x180];
	v6 =	vnsel vm0, $0xFF800000, v2;
	vm0 =	vlt.f32 v1, $-Inf;
	vm1 =	vgt.f32 v1, $-Inf  }
0x82: {  	vm2 =	vgt.f32 v1, v6;
	vm0 =	vmor vm1, vm0  }
0x83: {  	v5 =	vld [tilespmem:s19+$0x200];
	vm1 =	vmneg vm2;
	v7 =	vnsel vm0, $0xFF800000, v1;
	v8 =	vsel vm2, $0x1, v0  }
0x84: {  	vm0 =	vmand vm0, vm1;
	v7 =	vsel vm1, v7, v6;
	v9 =	vsel vm1, v6, v1  }
0x85: {  	v6 =	vld [tilespmem:s19+$0x280];
	v10 =	vsel vm0, $0x1, v0;
	vm0 =	vgt.f32 v3, v9;
	vm1 =	vgt.f32 v3, v7  }
0x86: {  	v10 =	vsel vm1, $0x2, v10;
	v11 =	vsel vm1, v3, v7;
	v12 =	vsel vm0, v3, v9  }
0x87: {  	v7 =	vld [tilespmem:s19+$0x300];
	v10 =	vsel vm0, v8, v10;
	v9 =	vsel vm0, v9, v11;
	vm1 =	vgt.f32 v4, v12  }
0x88: {  	v8 =	vsel vm0, $0x2, v8;
	vm0 =	vgt.f32 v4, v9;
	v11 =	vsel vm1, v4, v12  }
0x89: {  	v13 =	vld [tilespmem:s19+$0x380];
	v10 =	vsel vm0, $0x3, v10;
	v9 =	vsel vm0, v4, v9;
	vm0 =	vgt.f32 v5, v11  }
0x8a: {  	v10 =	vsel vm1, v8, v10;
	v9 =	vsel vm1, v12, v9;
	v12 =	vsel vm0, v5, v11  }
0x8b: {  	v8 =	vsel vm1, $0x3, v8;
	v14 =	vld [tilespmem:s19+$0x800];
	vm1 =	vgt.f32 v5, v9;
	vm3 =	vgt.f32 v6, v12  }
0x8c: {  	v10 =	vsel vm1, $0x4, v10;
	v9 =	vsel vm1, v5, v9;
	v15 =	vsel vm3, v6, v12  }
0x8d: {  	v10 =	vsel vm0, v8, v10;
	v9 =	vsel vm0, v11, v9;
	vm4 =	vgt.f32 v7, v15  }
0x8e: {  	v8 =	vsel vm0, $0x4, v8;
	v11 =	vld [tilespmem:s19+$0x880];
	vm0 =	vgt.f32 v6, v9;
	v16 =	vsel vm4, v7, v15  }
0x8f: {  	v10 =	vsel vm0, $0x5, v10;
	v9 =	vsel vm0, v6, v9;
	vm2 =	vgt.f32 v13, v16  }
0x90: {  	v17 =	vld [tilespmem:s19+$0x900];
	v10 =	vsel vm3, v8, v10;
	v9 =	vsel vm3, v12, v9;
	v12 =	vsel vm2, v13, v16  }
0x91: {  	v8 =	vsel vm3, $0x5, v8;
	vm0 =	vgt.f32 v7, v9;
	vm1 =	vgt.f32 v14, v12  }
0x92: {  	v18 =	vld [tilespmem:s19+$0x980];
	v10 =	vsel vm0, $0x6, v10;
	v9 =	vsel vm0, v7, v9;
	v19 =	vsel vm1, v14, v12  }
0x93: {  	v10 =	vsel vm4, v8, v10;
	v9 =	vsel vm4, v15, v9;
	vm0 =	vgt.f32 v11, v19  }
0x94: {  	v8 =	vsel vm4, $0x6, v8;
	v15 =	vld [tilespmem:s19+$0xA00];
	vm3 =	vgt.f32 v13, v9;
	v20 =	vsel vm0, v11, v19  }
0x95: {  	v10 =	vsel vm3, $0x7, v10;
	v9 =	vsel vm3, v13, v9;
	vm5 =	vgt.f32 v17, v20  }
0x96: {  	v21 =	vld [tilespmem:s19+$0xA80];
	v10 =	vsel vm2, v8, v10;
	v9 =	vsel vm2, v16, v9;
	v16 =	vsel vm5, v17, v20  }
0x97: {  	v8 =	vsel vm2, $0x7, v8;
	vm2 =	vgt.f32 v14, v9;
	vm3 =	vgt.f32 v18, v16  }
0x98: {  	v22 =	vld [tilespmem:s19+$0xB00];
	v10 =	vsel vm2, $0x8, v10;
	v9 =	vsel vm2, v14, v9;
	v23 =	vsel vm3, v18, v16  }
0x99: {  	v10 =	vsel vm1, v8, v10;
	v9 =	vsel vm1, v12, v9;
	vm4 =	vgt.f32 v15, v23  }
0x9a: {  	v8 =	vsel vm1, $0x8, v8;
	v12 =	vld [tilespmem:s19+$0xB80];
	vm1 =	vgt.f32 v11, v9;
	v24 =	vsel vm4, v15, v23  }
0x9b: {  	v10 =	vsel vm1, $0x9, v10;
	v9 =	vsel vm1, v11, v9;
	vm2 =	vgt.f32 v21, v24  }
0x9c: {  	v10 =	vsel vm0, v8, v10;
	v9 =	vsel vm0, v19, v9;
	v19 =	vsel vm2, v21, v24  }
0x9d: {  	v8 =	vsel vm0, $0x9, v8;
	vm1 =	vgt.f32 v17, v9;
	vm0 =	vgt.f32 v22, v19  }
0x9e: {  	v10 =	vsel vm1, $0xA, v10;
	v9 =	vsel vm1, v17, v9;
	v25 =	vsel vm0, v22, v19  }
0x9f: {  	v10 =	vsel vm5, v8, v10;
	v9 =	vsel vm5, v20, v9;
	vm1 =	vgt.f32 v12, v25  }
0xa0: {  	v8 =	vsel vm5, $0xA, v8;
	vm5 =	vgt.f32 v18, v9;
	v20 =	vsel vm1, v12, v25  }
0xa1: {  	v9 =	vsel vm5, v18, v9;
	v2 =	vsub.f32 v2, v20;
	v17 =	vsub.f32 v17, v20  }
0xa2: {  	v3 =	vsub.f32 v3, v20;
	v4 =	vsub.f32 v4, v20;
	v9 =	vsel vm3, v16, v9  }
0xa3: {  	v1 =	vsub.f32 v1, v20;
	v5 =	vsub.f32 v5, v20;
	v2 =	vmul.f32 $1.442695020e+00, v2  }
0xa4: {  	v6 =	vsub.f32 v6, v20;
	v3 =	vmul.f32 $1.442695020e+00, v3;
	v4 =	vmul.f32 $1.442695020e+00, v4  }
0xa5: {  	v7 =	vsub.f32 v7, v20;
	v1 =	vmul.f32 $1.442695020e+00, v1;
	(erf) = vpow2.f32 v2  }
0xa6: {  	v2 =	vmul.f32 $1.442695020e+00, v5;
	v5 =	vmul.f32 $1.442695020e+00, v6;
	v6 =	vsub.f32 v13, v20  }
0xa7: {  	v10 =	vsel vm5, $0xB, v10;
	v13 =	vsub.f32 v14, v20;
	(erf) = vpow2.f32 v1  }
0xa8: {  	v7 =	vmul.f32 $1.442695020e+00, v7;
	v1 =	vsel vm3, v8, v10;
	v6 =	vmul.f32 $1.442695020e+00, v6  }
0xa9: {  	v10 =	vmul.f32 $1.442695020e+00, v13;
	v13 =	vsub.f32 v18, v20;
	(erf) = vpow2.f32 v3  }
0xaa: {  	v16 =	vsub.f32 v21, v20;
	v14 =	vsub.f32 v15, v20;
	v3 =	vmul.f32 $1.442695020e+00, v17  }
0xab: {  	v13 =	vmul.f32 $1.442695020e+00, v13;
	v17 =	vsub.f32 v22, v20;
	(erf) = vpow2.f32 v4  }
0xac: {  	v4 =	vsub.f32 v11, v20;
	v11 =	vmul.f32 $1.442695020e+00, v14;
	v14 =	vmul.f32 $1.442695020e+00, v16  }
0xad: {  	vm5 =	vgt.f32 v15, v9;
	v16 =	vmul.f32 $1.442695020e+00, v17;
	(erf) = vpow2.f32 v2  }
0xae: {  	v17 =	vsub.f32 v12, v20;
	v2 =	vsel vm5, v15, v9;
	v4 =	vmul.f32 $1.442695020e+00, v4;
	v15 =	vpop (erf)  }
0xaf: {  	v2 =	vsel vm4, v23, v2;
	v15 =	vadd.f32 $0.0e+00, v15;
	(erf) = vpow2.f32 v5  }
0xb0: {  	v1 =	vsel vm5, $0xC, v1;
	vm5 =	vgt.f32 v21, v2;
	v5 =	vmul.f32 $1.442695020e+00, v17;
	v9 =	vpop (erf)  }
0xb1: {  	v2 =	vsel vm5, v21, v2;
	v9 =	vadd.f32 v15, v9;
	(erf) = vpow2.f32 v7  }
0xb2: {  	v15 =	vsel vm3, $0xB, v8;
	v2 =	vsel vm2, v24, v2;
	v8 =	vpop (erf)  }
0xb3: {  	vm3 =	vgt.f32 v22, v2;
	v8 =	vadd.f32 v9, v8;
	(erf) = vpow2.f32 v6  }
0xb4: {  	v1 =	vsel vm4, v15, v1;
	v6 =	vsel vm4, $0xC, v15;
	v2 =	vsel vm3, v22, v2;
	v7 =	vpop (erf)  }
0xb5: {  	v2 =	vsel vm0, v19, v2;
	v7 =	vadd.f32 v8, v7;
	(erf) = vpow2.f32 v10  }
0xb6: {  	v1 =	vsel vm5, $0xD, v1;
	v8 =	vsel vm2, $0xD, v6;
	vm4 =	vgt.f32 v12, v2;
	v9 =	vpop (erf)  }
0xb7: {  	v2 =	vsel vm4, v12, v2;
	v9 =	vadd.f32 v7, v9;
	(erf) = vpow2.f32 v4  }
0xb8: {  	v1 =	vsel vm2, v6, v1;
	v4 =	vsel vm0, $0xE, v8;
	v2 =	vsel vm1, v25, v2;
	v6 =	vpop (erf)  }
0xb9: {  	v2 =	vsub.f32 v2, v20;
	v6 =	vadd.f32 v9, v6;
	(erf) = vpow2.f32 v3  }
0xba: {  	v9 =	vsel vm3, $0xE, v1;
	v1 =	vsel vm1, $0xF, v4;
	v7 =	vpop (erf)  }
0xbb: {  	v6 =	vadd.f32 v6, v7;
	v7 =	vmul.f32 $1.442695020e+00, v2;
	(erf) = vpow2.f32 v13  }
0xbc: {  	v2 =	vsel vm0, v8, v9;
	v3 =	vpop (erf)  }
0xbd: {  	v2 =	vsel vm4, $0xF, v2;
	v3 =	vadd.f32 v6, v3;
	(erf) = vpow2.f32 v11  }
0xbe: {  	v2 =	vsel vm1, v4, v2;
	v4 =	vpop (erf)  }
0xbf: {  	v3 =	vadd.f32 v3, v4;
	(erf) = vpow2.f32 v14  }
0xc0: {  	v4 =	vpop (erf)  }
0xc1: {  	v3 =	vadd.f32 v3, v4;
	(erf) = vpow2.f32 v16  }
0xc2: {  	v4 =	vpop (erf)  }
0xc3: {  	v3 =	vadd.f32 v3, v4;
	(erf) = vpow2.f32 v5  }
0xc4: {  	v4 =	vpop (erf)  }
0xc5: {  	v3 =	vadd.f32 v3, v4  }
0xc6: {  	v4 =	vpop (erf)  }
0xc7: {  	v3 =	vadd.f32 v3, v4  }
0xc8: {  	v4 =	vpop (erf)  }
0xc9: {  	v3 =	vadd.f32 v3, v4  }
0xca: {  	v4 =	vpop (erf)  }
0xcb: {  	v3 =	vadd.f32 v3, v4  }
0xcc: {  	v4 =	vpop (erf)  }
0xcd: {  	v3 =	vadd.f32 v3, v4  }
0xce: {  	(erf) = vpow2.f32 v7  }
0xcf: {  	(erf) = vrcp.f32 v3;
	_ =	sdelay $0x5  }
.Ltmp0:
0xd0: {  	(pc) =	sbr.rel @p0 .LBB2_2-.Ltmp0, $4  }
0xd1: {  	s19 =	sshll.u32 s14, $0x5;
	s14 =	smov.u32 s18  }
0xd2: {  	s13 =	sadd.s32 $0x10, s13;
	s18 =	sand.u32 $0xFFFFFF00, s19;
	v3 =	vpop (erf)  }
0xd3: {  	s19 =	sshll.u32 s14, $0x7;
	s20 =	sor.u32 s15, s18;
	s18 =	sor.u32 s18, s17;
	v4 =	vpop (erf)  }
0xd4: {  	s15 =	sand.u32 $0x70, s13;
	s17 =	sand.u32 $0x3FFFFC00, s19;
	s21 =	sor.u32 $0x80, s18;
	[tilespmem:s20+$0x1000] =	vst v4;
	v3 =	vmul.f32 v4, v3  }
0xd5: {  	_ = 	snop  }
0xd6: {  	[tilespmem:s21+$0x1000] =	vst v3  }
0xd7: {  	[tilespmem:s20+$0x1200] =	vst v1  }
0xd8: {  	s16 =	sor.u32 s15, s17;
	[tilespmem:s21+$0x1200] =	vst v2  }
0xd9: {  	v6 =	vld [tilespmem:s16+$0x0];
	_ =	sdelay $0x1  }
0xda: {  	v7 =	vld [tilespmem:s16+$0x80];
	_ =	sdelay $0x2  }
0xdb: {  	v8 =	vld [tilespmem:s16+$0x100];
	vm0 =	vgt.f32 v6, $-Inf  }
0xdc: {  	v2 =	vnsel vm0, $0xFF800000, v6  }
0xdd: {  	v9 =	vld [tilespmem:s16+$0x180];
	vm5 =	vgt.f32 v7, v2  }
0xde: {  	vm0 =	vmneg vm5  }
0xdf: {  	v10 =	vld [tilespmem:s16+$0x200];
	v11 =	vsel vm0, v2, v7  }
0xe0: {  	vm13 =	vgt.f32 v8, v11  }
0xe1: {  	v12 =	vld [tilespmem:s16+$0x280];
	v13 =	vsel vm13, v8, v11  }
0xe2: {  	vm12 =	vgt.f32 v9, v13  }
0xe3: {  	v14 =	vld [tilespmem:s16+$0x300];
	v15 =	vsel vm12, v9, v13  }
0xe4: {  	vm11 =	vgt.f32 v10, v15  }
0xe5: {  	v16 =	vld [tilespmem:s16+$0x380];
	v17 =	vsel vm11, v10, v15  }
0xe6: {  	vm10 =	vgt.f32 v12, v17  }
0xe7: {  	v18 =	vld [tilespmem:s16+$0x800];
	v19 =	vsel vm10, v12, v17  }
0xe8: {  	vm9 =	vgt.f32 v14, v19  }
0xe9: {  	v20 =	vld [tilespmem:s16+$0x880];
	v21 =	vsel vm9, v14, v19  }
0xea: {  	vm8 =	vgt.f32 v16, v21  }
0xeb: {  	v22 =	vld [tilespmem:s16+$0x900];
	v23 =	vsel vm8, v16, v21  }
0xec: {  	vm14 =	vgt.f32 v18, v23  }
0xed: {  	v24 =	vld [tilespmem:s16+$0x980];
	v25 =	vsel vm14, v18, v23  }
0xee: {  	vm4 =	vgt.f32 v20, v25  }
0xef: {  	v26 =	vld [tilespmem:s16+$0xA00];
	v27 =	vsel vm4, v20, v25  }
0xf0: {  	v4 =	vimm.s32 $0x0;
	v1 =	vimm.s32 $0x0;
	vm15 =	vgt.f32 v22, v27  }
0xf1: {  	v32 =	vimm.s32 $0x0;
	v1 =	vsel vm4, $0xFFFFFFFF, v1;
	v29 =	vsel vm15, v22, v27  }
0xf2: {  	v44 =	vimm.s32 $0x0;
	v28 =	vld [tilespmem:s16+$0xA80];
	[tilespmem:$0x1FF30] =	vst v1;
	v1 =	vimm.s32 $0x0;
	vm1 =	vgt.f32 v24, v29  }
0xf3: {  	v46 =	vimm.s32 $0x0;
	v1 =	vsel vm1, $0xFFFFFFFF, v1;
	v30 =	vsel vm1, v24, v29  }
0xf4: {  	v47 =	vimm.s32 $0x0;
	v3 =	vld [tilespmem:s16+$0xB00];
	[tilespmem:$0x1FE80] =	vst v1;
	vm1 =	vgt.f32 v26, v30;
	v1 =	vimm.s32 $0x0  }
0xf5: {  	v50 =	vimm.s32 $0x0;
	v52 =	vimm.s32 $0x0;
	v1 =	vsel vm1, $0xFFFFFFFF, v1  }
0xf6: {  	vm7 =	vlt.f32 v7, $-Inf;
	vm2 =	vgt.f32 v7, $-Inf;
	v31 =	vsel vm1, v26, v30;
	[tilespmem:$0x1FE90] =	vst v1;
	v1 =	vld [tilespmem:s16+$0xB80]  }
0xf7: {  	v56 =	vimm.s32 $0x0;
	vm2 =	vmor vm2, vm7;
	v36 =	vld [tilespmem:$0x1FE80];
	vm3 =	vgt.f32 v28, v31  }
0xf8: {  	v43 =	vnsel vm2, $0xFF800000, v7;
	v4 =	vsel vm3, $0xFFFFFFFF, v4;
	v5 =	vsel vm3, v28, v31  }
0xf9: {  	v62 =	vimm.s32 $0x0;
	[tilespmem:$0x1FEB0] =	vst v4;
	vm6 =	vgt.f32 v3, v5;
	v4 =	vsel vm0, v43, v2  }
0xfa: {  	v41 =	vld [tilespmem:$0x1FE90];
	vm0 =	vmand vm2, vm0;
	v2 =	vsel vm6, v3, v5;
	vm1 =	vgt.f32 v8, v4  }
0xfb: {  	v32 =	vsel vm6, $0xFFFFFFFF, v32;
	v45 =	vsel vm1, v8, v4;
	vm7 =	vgt.f32 v1, v2  }
0xfc: {  	vm3 =	vnez.u8 v36;
	v11 =	vsel vm13, v11, v45;
	v4 =	vsel vm7, v1, v2  }
0xfd: {  	[tilespmem:$0x1FED0] =	vst v32;
	v32 =	vsel vm7, $0xFFFFFFFF, v44;
	v6 =	vsub.f32 v6, v4;
	v7 =	vsub.f32 v7, v4  }
0xfe: {  	vm6 =	vgt.f32 v9, v11;
	v8 =	vsub.f32 v8, v4;
	v49 =	vsub.f32 v9, v4  }
0xff: {  	vm2 =	vnez.u8 v41;
	v51 =	vsub.f32 v10, v4;
	v53 =	vsub.f32 v12, v4  }
0x100: {  	[tilespmem:$0x1FF00] =	vst v32;
	v32 =	vsel vm6, $0xFFFFFFFF, v46;
	v54 =	vsub.f32 v14, v4;
	v57 =	vsub.f32 v16, v4  }
0x101: {  	v11 =	vsel vm6, v9, v11;
	v59 =	vsub.f32 v18, v4;
	v35 =	vsub.f32 v3, v4  }
0x102: {  	v39 =	vsub.f32 v1, v4;
	v11 =	vsel vm12, v13, v11;
	v6 =	vmul.f32 $1.442695020e+00, v6  }
0x103: {  	[tilespmem:$0x1FEA0] =	vst v32;
	v32 =	vsub.f32 v28, v4;
	v7 =	vmul.f32 $1.442695020e+00, v7;
	v8 =	vmul.f32 $1.442695020e+00, v8  }
0x104: {  	vm7 =	vgt.f32 v10, v11;
	v60 =	vmul.f32 $1.442695020e+00, v57;
	(erf) = vpow2.f32 v6  }
0x105: {  	v63 =	vmul.f32 $1.442695020e+00, v59;
	v48 =	vsel vm7, v10, v11;
	v6 =	vsel vm7, $0xFFFFFFFF, v47  }
0x106: {  	v37 =	vmul.f32 $1.442695020e+00, v32;
	[tilespmem:$0x1FEC0] =	vst v6;
	v6 =	vsel vm11, v15, v48;
	(erf) = vpow2.f32 v7  }
0x107: {  	v7 =	vmul.f32 $1.442695020e+00, v49;
	vm6 =	vgt.f32 v12, v6;
	(erf) = vpow2.f32 v8  }
0x108: {  	v45 =	vld [tilespmem:$0x1FEB0];
	v8 =	vmul.f32 $1.442695020e+00, v51;
	v9 =	vsel vm6, $0xFFFFFFFF, v50;
	v6 =	vsel vm6, v12, v6  }
0x109: {  	(erf) = vpow2.f32 v7;
	v12 =	vsub.f32 v20, v4;
	v6 =	vsel vm10, v17, v6  }
0x10a: {  	[tilespmem:$0x1FEE0] =	vst v9;
	(erf) = vpow2.f32 v8;
	v9 =	vmul.f32 $1.442695020e+00, v54;
	vm7 =	vgt.f32 v14, v6  }
0x10b: {  	v17 =	vsub.f32 v22, v4;
	v7 =	vsel vm7, $0xFFFFFFFF, v52;
	v6 =	vsel vm7, v14, v6  }
0x10c: {  	v15 =	vmul.f32 $1.442695020e+00, v12;
	[tilespmem:$0x1FEF0] =	vst v7;
	v6 =	vsel vm9, v19, v6;
	v7 =	vmul.f32 $1.442695020e+00, v53  }
0x10d: {  	v14 =	vsel vm0, $0x1, v0;
	vm0 =	vnez.u8 v45;
	vm6 =	vgt.f32 v16, v6;
	v55 =	vpop (erf)  }
0x10e: {  	v6 =	vsel vm6, v16, v6;
	(erf) = vpow2.f32 v7;
	v8 =	vadd.f32 $0.0e+00, v55  }
0x10f: {  	v19 =	vsub.f32 v24, v4;
	v10 =	vsel vm6, $0xFFFFFFFF, v56;
	v58 =	vpop (erf);
	v6 =	vsel vm8, v21, v6  }
0x110: {  	(erf) = vpow2.f32 v9;
	vm7 =	vgt.f32 v18, v6;
	v7 =	vadd.f32 v8, v58  }
0x111: {  	v16 =	vsel vm1, $0x2, v14;
	v21 =	vsel vm5, $0x1, v0;
	v61 =	vpop (erf);
	v6 =	vsel vm7, v18, v6  }
0x112: {  	(erf) = vpow2.f32 v60;
	v6 =	vsel vm14, v23, v6;
	v7 =	vadd.f32 v7, v61  }
0x113: {  	[tilespmem:$0x1FF10] =	vst v10;
	v9 =	vsel vm13, v21, v16;
	v10 =	vsel vm7, $0xFFFFFFFF, v62;
	v13 =	vpop (erf);
	vm7 =	vgt.f32 v20, v6  }
0x114: {  	v43 =	vld [tilespmem:$0x1FEA0];
	(erf) = vpow2.f32 v63;
	v6 =	vsel vm7, v20, v6;
	v7 =	vadd.f32 v7, v13  }
0x115: {  	v42 =	vsel vm13, $0x2, v21;
	v18 =	vpop (erf);
	(erf) = vpow2.f32 v15;
	v6 =	vsel vm4, v25, v6  }
0x116: {  	v47 =	vld [tilespmem:$0x1FEC0];
	[tilespmem:$0x1FF20] =	vst v10;
	v10 =	vmul.f32 $1.442695020e+00, v17;
	vm6 =	vgt.f32 v22, v6;
	v7 =	vadd.f32 v7, v18  }
0x117: {  	v8 =	vmul.f32 $1.442695020e+00, v19;
	v23 =	vsub.f32 v26, v4;
	v20 =	vpop (erf);
	v6 =	vsel vm6, v22, v6  }
0x118: {  	(erf) = vpow2.f32 v10;
	v6 =	vsel vm15, v27, v6;
	v7 =	vadd.f32 v7, v20  }
0x119: {  	vm13 =	vnez.u8 v43;
	v33 =	vmul.f32 $1.442695020e+00, v23;
	v25 =	vpop (erf);
	vm5 =	vgt.f32 v24, v6  }
0x11a: {  	(erf) = vpow2.f32 v8;
	v6 =	vsel vm5, v24, v6;
	v7 =	vadd.f32 v7, v25  }
0x11b: {  	v9 =	vsel vm13, $0x3, v9;
	vm13 =	vnez.u8 v47;
	v34 =	vpop (erf);
	v6 =	vsel vm3, v29, v6  }
0x11c: {  	v50 =	vld [tilespmem:$0x1FED0];
	(erf) = vpow2.f32 v33;
	vm4 =	vgt.f32 v26, v6;
	v7 =	vadd.f32 v7, v34  }
0x11d: {  	v9 =	vsel vm12, v42, v9;
	v8 =	vmul.f32 $1.442695020e+00, v35;
	v38 =	vpop (erf);
	v6 =	vsel vm4, v26, v6  }
0x11e: {  	(erf) = vpow2.f32 v37;
	v6 =	vsel vm2, v30, v6;
	v7 =	vadd.f32 v7, v38  }
0x11f: {  	v52 =	vld [tilespmem:$0x1FEE0];
	v9 =	vsel vm13, $0x4, v9;
	v10 =	vmul.f32 $1.442695020e+00, v39;
	v40 =	vpop (erf);
	vm1 =	vgt.f32 v28, v6  }
0x120: {  	(erf) = vpow2.f32 v8;
	v6 =	vsel vm1, v28, v6;
	v7 =	vadd.f32 v7, v40  }
0x121: {  	v55 =	vld [tilespmem:$0x1FEF0];
	vm13 =	vnez.u8 v50;
	v8 =	vsel vm12, $0x3, v42;
	v44 =	vpop (erf);
	v6 =	vsel vm0, v31, v6  }
0x122: {  	v56 =	vld [tilespmem:$0x1FF00];
	(erf) = vpow2.f32 v10;
	vm12 =	vgt.f32 v3, v6;
	v7 =	vadd.f32 v7, v44  }
0x123: {  	v49 =	vsel vm11, v8, v9;
	v8 =	vsel vm11, $0x4, v8;
	v46 =	vpop (erf);
	v3 =	vsel vm12, v3, v6  }
0x124: {  	vm11 =	vnez.u8 v52;
	v3 =	vsel vm13, v5, v3;
	v48 =	vadd.f32 v7, v46  }
0x125: {  	v54 =	vsel vm10, $0x5, v8;
	v51 =	vpop (erf);
	v7 =	vsel vm11, $0x5, v49;
	vm11 =	vgt.f32 v1, v3  }
0x126: {  	v53 =	vsel vm10, v8, v7;
	vm10 =	vnez.u8 v55;
	v5 =	vadd.f32 v48, v51  }
0x127: {  	v1 =	vsel vm11, v1, v3;
	v3 =	vpop (erf);
	v6 =	vsel vm10, $0x6, v53;
	vm10 =	vnez.u8 v56  }
0x128: {  	v1 =	vsel vm10, v2, v1;
	v2 =	vadd.f32 v5, v3  }
0x129: {  	v59 =	vld [tilespmem:$0x1FF10];
	v57 =	vpop (erf);
	v1 =	vsub.f32 v1, v4  }
0x12a: {  	v2 =	vadd.f32 v2, v57  }
0x12b: {  	v61 =	vld [tilespmem:$0x1FF20];
	v60 =	vpop (erf);
	v1 =	vmul.f32 $1.442695020e+00, v1  }
0x12c: {  	v2 =	vadd.f32 v2, v60  }
0x12d: {  	v58 =	vsel vm9, $0x6, v54;
	(erf) = vpow2.f32 v1  }
0x12e: {  	v3 =	vsel vm9, v54, v6;
	vm9 =	vnez.u8 v59;
	(erf) = vrcp.f32 v2;
	v2 =	vld [tilespmem:$0x1FF30]  }
0x12f: {  	v3 =	vsel vm9, $0x7, v3  }
0x130: {  	v5 =	vsel vm8, $0x7, v58;
	v3 =	vsel vm8, v58, v3;
	vm8 =	vnez.u8 v61  }
0x131: {  	v3 =	vsel vm8, $0x8, v3  }
0x132: {  	v3 =	vsel vm14, v5, v3  }
0x133: {  	v1 =	vsel vm14, $0x8, v5;
	v3 =	vsel vm7, $0x9, v3;
	vm14 =	vnez.u8 v2  }
0x134: {  	v2 =	vsel vm14, v1, v3  }
0x135: {  	v1 =	vsel vm14, $0x9, v1;
	v2 =	vsel vm6, $0xA, v2  }
0x136: {  	v2 =	vsel vm15, v1, v2  }
0x137: {  	v1 =	vsel vm15, $0xA, v1;
	v2 =	vsel vm5, $0xB, v2  }
0x138: {  	v2 =	vsel vm3, v1, v2  }
0x139: {  	v1 =	vsel vm3, $0xB, v1;
	v2 =	vsel vm4, $0xC, v2  }
0x13a: {  	v2 =	vsel vm2, v1, v2  }
0x13b: {  	s14 =	sshll.u32 s14, $0x5;
	v3 =	vpop (erf);
	v1 =	vsel vm2, $0xC, v1;
	v2 =	vsel vm1, $0xD, v2  }
0x13c: {  	s14 =	sand.u32 $0xFFFFFF00, s14;
	v62 =	vpop (erf);
	v2 =	vsel vm0, v1, v2  }
0x13d: {  	s31 =	sor.u32 s15, s14;
	s13 =	sor.u32 s14, s13;
	v3 =	vmul.f32 v62, v3;
	v1 =	vsel vm0, $0xD, v1;
	v2 =	vsel vm12, $0xE, v2  }
0x13e: {  	s13 =	sor.u32 $0x80, s13;
	[tilespmem:s31+$0x1000] =	vst v62;
	v63 =	vsel vm13, $0xE, v1;
	v1 =	vsel vm13, v1, v2  }
0x13f: {  	[tilespmem:s13+$0x1000] =	vst v3;
	v2 =	vsel vm10, $0xF, v63;
	v1 =	vsel vm11, $0xF, v1  }
0x140: {  	[tilespmem:s31+$0x1200] =	vst v2;
	v1 =	vsel vm10, v63, v1  }
0x141: {  	[tilespmem:s13+$0x1200] =	vst v1  }
0x142: {  	[hbm4b:s4+s2] =	stream.linear.scatter [tilespmem:s10], [sflag:$0x1], $0x200, $0x38;
	[tilespmem:$0x1400] =	vst v63  }
0x143: {  	s12 =	sadd.s32 $0x1, s12;
	_ =	swait.ge [sflag:s9], $0x200  }
0x144: {  	p0 =	sne.s32 s12, s6;
	[sflag:s9] =	ssyncset.done $0x0  }
.Ltmp1:
0x145: {  	[sflag:s9] =	ssyncadd.s32 $0xFFFFFE00;
	(pc) =	sbr.rel @p0 .LBB2_1-.Ltmp1, $4  }
0x146: {  	[hbm4b:s5+s2] =	stream.linear.scatter [tilespmem:s11], [sflag:$0x1], $0x200, $0x38;
	[tilespmem:$0x1400] =	vst v63  }
0x147: {  	_ =	swait.ge [sflag:s9], $0x200  }
0x148: {  	[sflag:s9] =	ssyncset.done $0x0  }
0x149: {  	[sflag:s9] =	ssyncadd.s32 $0xFFFFFE00  }
0x14a: {  	_ =	sfence.sel $0x180000  }
0x14b: {  	[bflag:$0x0] =	sbarrier.arrive $0xFFFF  }
0x14c: {  	p0 =	sne.s32 s1, $0x0;
	_ =	strace $0x90000047  }
0x14d: {  	s0 =	sadd.s32 @!p0 $0x100000, s0;
	[bflag:$0x2] =	sbarrier.arrive $0xFFFF  }
0x14e: {  	[sflag:s0] =	ssyncadd.tile.s32 @!p0 $0x1;
	_ =	shalt  }
.Lfunc_end2:
_tile_overlayer_lowered:
.L_overlay_start_2:
0x14f: {  	(tag) =	ssettag $0x2  }
0x150: {  	s0 =	rddreg [dreg:$0x0];
	s2 =	stileid.u32  }
0x151: {  	s1 =	rddreg [dreg:$0x1];
	p0 =	sne.s32 s2, $0x0  }
0x152: {  	s3 =	rddreg [dreg:$0x2];
	[bflag:$0x3] =	sbarrier.arrive $0xFFFF;
	s2 =	simm.s32 @!p0 $0x1C01  }
0x153: {  	[timem:s3], [sflag:s2] =	dma.local @!p0 [hbm:s0], s1  }
0x154: {  	s0 =	simm.s32 @!p0 $0x1  }
0x155: {  	_ =	swait.ge @!p0 [sflag:s0], s1  }
0x156: {  	s1 =	ssub.s32 @!p0 $0x0, s1;
	[sflag:s0] =	ssyncset.done @!p0 $0x0  }
0x157: {  	[sflag:s0] =	ssyncadd.s32 @!p0 s1  }
0x158: {  	[bflag:$0x3] =	sbarrier.arrive $0xFFFF  }
0x159: {  	_ =	shalt  }

</sc_bundles>
